<compile_context>
chip_gen: v7x
topology: tpu7x:2x2x1
jax: 0.10.2.dev20260603
libtpu: 0.0.44.dev20260713+nightly
codegen_flags: <defaults>
</compile_context>

<pallas_src>
import functools

import jax
import jax.numpy as jnp
from jax import lax
from jax.experimental import pallas as pl
from jax.experimental.pallas import tpu as pltpu
from jax.experimental.pallas import tpu_sc as plsc

N = 10000
E = 320000
L = 100000
D = 128
OUT = 128

NC = 2
NS = 16
NW = NC * NS
C = 128
CPW = 80
HPW = CPW // 2
EPW = E // NW
PADW = CPW * C - EPW
DUMP = 128
RPS = 624
RTAIL = N - NS * RPS
ND = N + DUMP
LCHUNKS = (L + C - 1) // C
LPW = 27
LPAD = 102400 - L


def _mesh():
    return plsc.VectorSubcoreMesh(core_axis_name="c", subcore_axis_name="s")


def _zero_table(zeros_h, tbl_s, sid):
    pltpu.sync_copy(zeros_h.at[pl.ds(sid * RPS, RPS)],
                    tbl_s.at[pl.ds(sid * RPS, RPS)])

    @pl.when(sid == 0)
    def _():
        pltpu.sync_copy(zeros_h.at[pl.ds(0, RTAIL + DUMP)],
                        tbl_s.at[pl.ds(NS * RPS, RTAIL + DUMP)])


def _copy_out(tbl_s, out_h, cid, sid):
    pltpu.sync_copy(tbl_s.at[pl.ds(sid * RPS, RPS)],
                    out_h.at[cid, pl.ds(sid * RPS, RPS)])

    @pl.when(sid == 0)
    def _():
        pltpu.sync_copy(tbl_s.at[pl.ds(NS * RPS, RTAIL)],
                        out_h.at[cid, pl.ds(NS * RPS, RTAIL)])


def _sc_degree(dst3, ones_rows, zerosD):

    @functools.partial(
        pl.kernel,
        mesh=_mesh(),
        out_type=jax.ShapeDtypeStruct((NC, N, D), jnp.float32),
        scratch_types=[
            pltpu.VMEM((CPW, C), jnp.int32),
            pltpu.VMEM((C, D), jnp.float32),
            pltpu.VMEM_SHARED((ND, D), jnp.float32),
        ],
    )
    def k(dst_h, ones_h, zeros_h, out_h, didx_v, ones_v, deg_s):
        cid = lax.axis_index("c")
        sid = lax.axis_index("s")
        wid = sid * NC + cid
        _zero_table(zeros_h, deg_s, sid)
        pltpu.sync_copy(dst_h.at[wid], didx_v)
        pltpu.sync_copy(ones_h, ones_v)
        plsc.subcore_barrier()

        def body(c, carry):
            pltpu.sync_copy(ones_v, deg_s.at[didx_v.at[c]], add=True)
            return carry

        lax.fori_loop(0, CPW, body, 0)
        plsc.subcore_barrier()
        _copy_out(deg_s, out_h, cid, sid)

    return k(dst3, ones_rows, zerosD)


def _sc_messages(src3, dst3, y, zerosD):

    @functools.partial(
        pl.kernel,
        mesh=_mesh(),
        out_type=jax.ShapeDtypeStruct((NC, N, D), jnp.float32),
        scratch_types=[
            pltpu.VMEM((HPW, C), jnp.int32),
            pltpu.VMEM((HPW, C), jnp.int32),
            [pltpu.VMEM((C, D), jnp.float32) for _ in range(2)],
            pltpu.VMEM_SHARED((ND, D), jnp.float32),
            [pltpu.SemaphoreType.DMA for _ in range(2)],
        ],
    )
    def k(src_h, dst_h, y_h, zeros_h, out_h,
          sidx_v, didx_v, rows, acc_s, gsem):
        cid = lax.axis_index("c")
        sid = lax.axis_index("s")
        wid = sid * NC + cid
        _zero_table(zeros_h, acc_s, sid)
        plsc.subcore_barrier()

        for h in range(2):
            pltpu.sync_copy(src_h.at[wid, pl.ds(h * HPW, HPW)], sidx_v)
            pltpu.sync_copy(dst_h.at[wid, pl.ds(h * HPW, HPW)], didx_v)
            pltpu.async_copy(y_h.at[sidx_v.at[0]], rows[0], gsem[0])

            def body(i, carry):
                a = i * 2
                b = a + 1
                pltpu.async_copy(y_h.at[sidx_v.at[b]], rows[1], gsem[1])
                pltpu.make_async_copy(y_h.at[sidx_v.at[a]], rows[0],
                                      gsem[0]).wait()
                pltpu.sync_copy(rows[0], acc_s.at[didx_v.at[a]], add=True)

                @pl.when(i < HPW // 2 - 1)
                def _():
                    pltpu.async_copy(y_h.at[sidx_v.at[a + 2]], rows[0],
                                     gsem[0])

                pltpu.make_async_copy(y_h.at[sidx_v.at[b]], rows[1],
                                      gsem[1]).wait()
                pltpu.sync_copy(rows[1], acc_s.at[didx_v.at[b]], add=True)
                return carry

            lax.fori_loop(0, HPW // 2, body, 0)
        plsc.subcore_barrier()
        _copy_out(acc_s, out_h, cid, sid)

    return k(src3, dst3, y, zerosD)


def _sc_pairs(i0p, i1p, h1, h2):

    @functools.partial(
        pl.kernel,
        mesh=_mesh(),
        out_type=jax.ShapeDtypeStruct((L, OUT), jnp.float32),
        scratch_types=[
            pltpu.VMEM((LPW * C,), jnp.int32),
            pltpu.VMEM((LPW * C,), jnp.int32),
            [pltpu.VMEM((C, OUT), jnp.float32) for _ in range(3)],
            [pltpu.VMEM((C, OUT), jnp.float32) for _ in range(3)],
            [pltpu.SemaphoreType.DMA for _ in range(3)],
            [pltpu.SemaphoreType.DMA for _ in range(3)],
            [pltpu.SemaphoreType.DMA for _ in range(3)],
        ],
    )
    def k(i0_h, i1_h, h1_h, h2_h, out_h,
          i0_v, i1_v, ra, rb, gsa, gsb, osem):
        cid = lax.axis_index("c")
        sid = lax.axis_index("s")
        wid = sid * NC + cid
        f = wid * 24 + jnp.minimum(wid, 14)
        pltpu.sync_copy(i0_h.at[pl.ds(f * C, LPW * C)], i0_v)
        pltpu.sync_copy(i1_h.at[pl.ds(f * C, LPW * C)], i1_v)

        def start_of(kk):
            return jnp.minimum((f + kk) * C, L - C)

        def body(j, carry):
            gds = []
            for u in range(3):
                kk = j * 3 + u
                loff = start_of(kk) - f * C

                @pl.when(j > 0)
                def _():
                    pltpu.make_async_copy(
                        ra[u], out_h.at[pl.ds(start_of(kk), C)],
                        osem[u]).wait()

                gds.append((pltpu.async_copy(
                    h1_h.at[i0_v.at[pl.ds(loff, C)]], ra[u], gsa[u]),
                            pltpu.async_copy(
                    h2_h.at[i1_v.at[pl.ds(loff, C)]], rb[u], gsb[u])))
            for u in range(3):
                kk = j * 3 + u
                gds[u][0].wait()
                gds[u][1].wait()

                def add_row(r, cc):
                    for jj in range(OUT // 16):
                        sl = pl.ds(jj * 16, 16)
                        plsc.addupdate(ra[u].at[r, sl], rb[u][r, sl])
                    return cc

                lax.fori_loop(0, C, add_row, 0)
                pltpu.async_copy(ra[u], out_h.at[pl.ds(start_of(kk), C)],
                                 osem[u])
            return carry

        lax.fori_loop(0, LPW // 3, body, 0)
        for u in range(3):
            pltpu.make_async_copy(ra[u], out_h.at[pl.ds(start_of(u), C)],
                                  osem[u]).wait()

    return k(i0p, i1p, h1, h2)


_ROWS_BLK = 1000


def _tc_scale(degp, x, w):
    def body(dp_ref, x_ref, w_ref, y_ref):
        dsum = dp_ref[0] + dp_ref[1]
        dis = lax.rsqrt(dsum[:, 0:1] + 1.0)
        y_ref[...] = dis * jnp.dot(x_ref[...], w_ref[...],
                                   preferred_element_type=jnp.float32)

    return pl.pallas_call(
        body,
        grid=(N // _ROWS_BLK,),
        in_specs=[pl.BlockSpec((NC, _ROWS_BLK, D), lambda i: (0, i, 0)),
                  pl.BlockSpec((_ROWS_BLK, D), lambda i: (i, 0)),
                  pl.BlockSpec((D, D), lambda i: (0, 0))],
        out_specs=pl.BlockSpec((_ROWS_BLK, D), lambda i: (i, 0)),
        out_shape=jax.ShapeDtypeStruct((N, D), jnp.float32),
    )(degp, x, w)


def _tc_post(degp, accp, y, W_lin, b_conv2, b_lin2):
    def body(dp_ref, acc_ref, y_ref, wl_ref, bc_ref, bl_ref, h1_ref, h2_ref):
        dsum = dp_ref[0] + dp_ref[1]
        dis = lax.rsqrt(dsum[:, 0:1] + 1.0)
        h = dis * (acc_ref[0] + acc_ref[1] + y_ref[...]) + bc_ref[...]
        h1_ref[...] = jnp.dot(h, wl_ref[0:D, :],
                              preferred_element_type=jnp.float32) + bl_ref[...]
        h2_ref[...] = jnp.dot(h, wl_ref[D:2 * D, :],
                              preferred_element_type=jnp.float32)

    return pl.pallas_call(
        body,
        grid=(N // _ROWS_BLK,),
        in_specs=[pl.BlockSpec((NC, _ROWS_BLK, D), lambda i: (0, i, 0)),
                  pl.BlockSpec((NC, _ROWS_BLK, D), lambda i: (0, i, 0)),
                  pl.BlockSpec((_ROWS_BLK, D), lambda i: (i, 0)),
                  pl.BlockSpec((2 * D, OUT), lambda i: (0, 0)),
                  pl.BlockSpec((1, D), lambda i: (0, 0)),
                  pl.BlockSpec((1, OUT), lambda i: (0, 0))],
        out_specs=[pl.BlockSpec((_ROWS_BLK, OUT), lambda i: (i, 0)),
                   pl.BlockSpec((_ROWS_BLK, OUT), lambda i: (i, 0))],
        out_shape=[jax.ShapeDtypeStruct((N, OUT), jnp.float32),
                   jax.ShapeDtypeStruct((N, OUT), jnp.float32)],
    )(degp, accp, y, W_lin, b_conv2, b_lin2)


def kernel(x, edge_index, edge_label_index, W_conv, b_conv, W_lin, b_lin):
    src = edge_index[0]
    dst = edge_index[1]
    pad = jnp.arange(NW * PADW, dtype=jnp.int32)
    pad_src = (pad * 41) % N
    pad_dst = N + (pad % DUMP)
    srcp = jnp.concatenate(
        [src.reshape(NW, EPW), pad_src.reshape(NW, PADW)],
        axis=1).reshape(NW, CPW, C)
    dstp = jnp.concatenate(
        [dst.reshape(NW, EPW), pad_dst.reshape(NW, PADW)],
        axis=1).reshape(NW, CPW, C)
    i0p = jnp.concatenate(
        [edge_label_index[0], jnp.zeros((LPAD,), jnp.int32)])
    i1p = jnp.concatenate(
        [edge_label_index[1], jnp.zeros((LPAD,), jnp.int32)])
    ones_rows = jnp.ones((C, D), jnp.float32)
    zerosD = jnp.zeros((N, D), jnp.float32)

    degp = _sc_degree(dstp, ones_rows, zerosD)
    y = _tc_scale(degp, x, W_conv)
    accp = _sc_messages(srcp, dstp, y, zerosD)
    h1, h2 = _tc_post(degp, accp, y, W_lin,
                      b_conv.reshape(1, D), b_lin.reshape(1, OUT))
    return _sc_pairs(i0p, i1p, h1, h2)

# --- scband reference (transcript-rebuilt; emitter-appended) ---
"""Pipeline reference for scband-hetero-gcn-33303176413370 (READ-ONLY COPY).

The authoritative reference and input builder live on the scoring server;
editing this copy changes nothing except your own understanding.
"""

import jax, jax.numpy as jnp
import numpy as np

N = 10000
E = 320000
L = 100000
D = 128
OUT = 128


def setup_inputs(seed: int = 0) -> dict:
    key = jax.random.key(seed)
    ks = jax.random.split(key, 8)
    x = jax.random.normal(ks[0], (N, D), dtype=jnp.float32)
    edge_index = jax.random.randint(ks[1], (2, E), 0, N, dtype=jnp.int32)
    edge_label_index = jax.random.randint(ks[2], (2, L), 0, N, dtype=jnp.int32)
    W_conv = jax.random.normal(ks[3], (D, D), dtype=jnp.float32) * 0.05
    b_conv = jnp.zeros((D,), dtype=jnp.float32)
    W_lin = jax.random.normal(ks[4], (2 * D, OUT), dtype=jnp.float32) * 0.05
    b_lin = jnp.zeros((OUT,), dtype=jnp.float32)
    return {"x": x, "edge_index": edge_index, "edge_label_index": edge_label_index,
            "W_conv": W_conv, "b_conv": b_conv, "W_lin": W_lin, "b_lin": b_lin}


def reference(x, edge_index, edge_label_index, W_conv, b_conv, W_lin, b_lin):
    # GCNConv (PyG semantics): add self-loops, symmetric normalization, linear transform
    Nn = x.shape[0]
    self_loops = jnp.arange(Nn, dtype=edge_index.dtype)
    src = jnp.concatenate([edge_index[0], self_loops])
    dst = jnp.concatenate([edge_index[1], self_loops])
    xw = x @ W_conv
    deg = jnp.zeros((Nn,), dtype=x.dtype).at[dst].add(1.0)
    deg_inv_sqrt = jnp.where(deg > 0, 1.0 / jnp.sqrt(deg), 0.0)
    norm = deg_inv_sqrt[src] * deg_inv_sqrt[dst]
    msg = xw[src] * norm[:, None]
    h = jnp.zeros_like(xw).at[dst].add(msg) + b_conv
    # edge label gather + concat + linear
    drug_emb = h[edge_label_index[0]]
    prot_emb = h[edge_label_index[1]]
    edge_emb = jnp.concatenate([drug_emb, prot_emb], axis=1)
    return edge_emb @ W_lin + b_lin

if __name__ == "__main__":
    import jax
    _d = setup_inputs()
    print(jax.jit(kernel)(*tuple(_d.values())))

</pallas_src>

<mosaic_0001>
#map = affine_map<(d0, d1) -> (0, 0, 0)>
#map1 = affine_map<(d0, d1) -> (0, 0)>
module attributes {stable_mosaic.version = 14 : i64} {
  func.func @k(%arg0: i32, %arg1: i32, %arg2: memref<32x80x128xi32, #tpu.memory_space<hbm>>, %arg3: memref<32x80x128xi32, #tpu.memory_space<hbm>>, %arg4: memref<10000x128xf32, #tpu.memory_space<hbm>>, %arg5: memref<10000x128xf32, #tpu.memory_space<hbm>>, %arg6: memref<2x10000x128xf32, #tpu.memory_space<hbm>>, %arg7: memref<40x128xi32, #tpu.memory_space<vmem>>, %arg8: memref<40x128xi32, #tpu.memory_space<vmem>>, %arg9: memref<128x128xf32, #tpu.memory_space<vmem>>, %arg10: memref<128x128xf32, #tpu.memory_space<vmem>>, %arg11: memref<10128x128xf32, #tpu.memory_space<vmem_shared>>, %arg12: memref<!tpu.dma_semaphore, #tpu.memory_space<semaphore_mem>>, %arg13: memref<!tpu.dma_semaphore, #tpu.memory_space<semaphore_mem>>) attributes {dimension_semantics = [#tpu.dimension_semantics<core_parallel>, #tpu.dimension_semantics<subcore_parallel>], iteration_bounds = array<i64: 2, 16>, scalar_prefetch = 0 : i64, scratch_operands = 7 : i64, tpu.core_type = #tpu.core_type<sc_vector_subcore>, window_params = [{transform_indices = #map}, {transform_indices = #map}, {transform_indices = #map1}, {transform_indices = #map1}, {transform_indices = #map}]} {
    %mul3A = arith.constant 2 : i32
    %mul3A_0 = arith.muli %arg1, %mul3A : i32
    %add3A = arith.addi %mul3A_0, %arg0 : i32
    %mul3A_1 = arith.constant 624 : i32
    %mul3A_2 = arith.muli %arg1, %mul3A_1 : i32
    %mul3A_3 = arith.constant 624 : i32
    %mul3A_4 = arith.muli %arg1, %mul3A_3 : i32
    "tpu.region"() ({
      %run_scoped3A = tpu.sem_alloc : memref<!tpu.dma_semaphore, #tpu.memory_space<semaphore_mem>>
      %dma_start3A_41 = arith.constant 0 : i32
      %dma_start3A_42 = tpu.memref_slice %arg11[%mul3A_4, %dma_start3A_41] : memref<10128x128xf32, #tpu.memory_space<vmem_shared>> -> memref<624x128xf32, #tpu.memory_space<vmem_shared>>
      %dma_start3A_43 = arith.constant 0 : i32
      %dma_start3A_44 = tpu.memref_slice %arg5[%mul3A_2, %dma_start3A_43] : memref<10000x128xf32, #tpu.memory_space<hbm>> -> memref<624x128xf32, #tpu.memory_space<hbm>>
      tpu.enqueue_dma source(%dma_start3A_44 : memref<624x128xf32, #tpu.memory_space<hbm>>) target(%dma_start3A_42 : memref<624x128xf32, #tpu.memory_space<vmem_shared>>) target_semaphore(%run_scoped3A : memref<!tpu.dma_semaphore, #tpu.memory_space<semaphore_mem>>)
      %dma_wait3A = arith.constant 0 : i32
      %dma_wait3A_45 = tpu.memref_slice %arg11[%mul3A_4, %dma_wait3A] : memref<10128x128xf32, #tpu.memory_space<vmem_shared>> -> memref<624x128xf32, #tpu.memory_space<vmem_shared>>
      %dma_wait3A_46 = arith.constant 0 : i32
      %dma_wait3A_47 = tpu.memref_slice %arg5[%mul3A_2, %dma_wait3A_46] : memref<10000x128xf32, #tpu.memory_space<hbm>> -> memref<624x128xf32, #tpu.memory_space<hbm>>
      tpu.wait_dma2 semaphore(%run_scoped3A : memref<!tpu.dma_semaphore, #tpu.memory_space<semaphore_mem>>) src(%dma_wait3A_47 : memref<624x128xf32, #tpu.memory_space<hbm>>) dst(%dma_wait3A_45 : memref<624x128xf32, #tpu.memory_space<vmem_shared>>)
      tpu.yield
    }) : () -> ()
    %eq3A = arith.constant 0 : i32
    %eq3A_5 = arith.cmpi eq, %arg1, %eq3A : i32
    %convert_element_type3A = arith.extui %eq3A_5 : i1 to i32
    %cond3A = arith.constant 0 : i32
    %cond3A_6 = arith.cmpi ne, %convert_element_type3A, %cond3A : i32
    scf.if %cond3A_6 {
      "tpu.region"() ({
        %run_scoped3A = tpu.sem_alloc : memref<!tpu.dma_semaphore, #tpu.memory_space<semaphore_mem>>
        %dma_start3A_41 = arith.constant 9984 : i32
        %dma_start3A_42 = arith.constant 0 : i32
        %dma_start3A_43 = tpu.memref_slice %arg11[%dma_start3A_41, %dma_start3A_42] : memref<10128x128xf32, #tpu.memory_space<vmem_shared>> -> memref<144x128xf32, #tpu.memory_space<vmem_shared>>
        %dma_start3A_44 = arith.constant 0 : i32
        %dma_start3A_45 = arith.constant 0 : i32
        %dma_start3A_46 = tpu.memref_slice %arg5[%dma_start3A_44, %dma_start3A_45] : memref<10000x128xf32, #tpu.memory_space<hbm>> -> memref<144x128xf32, #tpu.memory_space<hbm>>
        tpu.enqueue_dma source(%dma_start3A_46 : memref<144x128xf32, #tpu.memory_space<hbm>>) target(%dma_start3A_43 : memref<144x128xf32, #tpu.memory_space<vmem_shared>>) target_semaphore(%run_scoped3A : memref<!tpu.dma_semaphore, #tpu.memory_space<semaphore_mem>>)
        %dma_wait3A = arith.constant 9984 : i32
        %dma_wait3A_47 = arith.constant 0 : i32
        %dma_wait3A_48 = tpu.memref_slice %arg11[%dma_wait3A, %dma_wait3A_47] : memref<10128x128xf32, #tpu.memory_space<vmem_shared>> -> memref<144x128xf32, #tpu.memory_space<vmem_shared>>
        %dma_wait3A_49 = arith.constant 0 : i32
        %dma_wait3A_50 = arith.constant 0 : i32
        %dma_wait3A_51 = tpu.memref_slice %arg5[%dma_wait3A_49, %dma_wait3A_50] : memref<10000x128xf32, #tpu.memory_space<hbm>> -> memref<144x128xf32, #tpu.memory_space<hbm>>
        tpu.wait_dma2 semaphore(%run_scoped3A : memref<!tpu.dma_semaphore, #tpu.memory_space<semaphore_mem>>) src(%dma_wait3A_51 : memref<144x128xf32, #tpu.memory_space<hbm>>) dst(%dma_wait3A_48 : memref<144x128xf32, #tpu.memory_space<vmem_shared>>)
        tpu.yield
      }) : () -> ()
    } else {
    }
    %barrier3A = arith.constant 0 : index
    tpu.barrier barrier_id(%barrier3A)
    "tpu.region"() ({
      %run_scoped3A = tpu.sem_alloc : memref<!tpu.dma_semaphore, #tpu.memory_space<semaphore_mem>>
      %dma_start3A_41 = arith.constant 0 : i32
      %dma_start3A_42 = arith.constant 0 : i32
      %dma_start3A_43 = tpu.memref_slice %arg2[%add3A, %dma_start3A_41, %dma_start3A_42] : memref<32x80x128xi32, #tpu.memory_space<hbm>> -> memref<1x40x128xi32, #tpu.memory_space<hbm>>
      %dma_start3A_44 = tpu.memref_squeeze %dma_start3A_43 : memref<1x40x128xi32, #tpu.memory_space<hbm>> -> memref<40x128xi32, #tpu.memory_space<hbm>>
      %dma_start3A_45 = arith.constant 0 : i32
      %dma_start3A_46 = arith.constant 0 : i32
      %dma_start3A_47 = tpu.memref_slice %arg2[%add3A, %dma_start3A_45, %dma_start3A_46] : memref<32x80x128xi32, #tpu.memory_space<hbm>> -> memref<1x40x128xi32, #tpu.memory_space<hbm>>
      %dma_start3A_48 = tpu.memref_squeeze %dma_start3A_47 : memref<1x40x128xi32, #tpu.memory_space<hbm>> -> memref<40x128xi32, #tpu.memory_space<hbm>>
      tpu.enqueue_dma source(%dma_start3A_48 : memref<40x128xi32, #tpu.memory_space<hbm>>) target(%arg7 : memref<40x128xi32, #tpu.memory_space<vmem>>) target_semaphore(%run_scoped3A : memref<!tpu.dma_semaphore, #tpu.memory_space<semaphore_mem>>)
      %dma_wait3A = arith.constant 0 : i32
      %dma_wait3A_49 = arith.constant 0 : i32
      %dma_wait3A_50 = tpu.memref_slice %arg2[%add3A, %dma_wait3A, %dma_wait3A_49] : memref<32x80x128xi32, #tpu.memory_space<hbm>> -> memref<1x40x128xi32, #tpu.memory_space<hbm>>
      %dma_wait3A_51 = tpu.memref_squeeze %dma_wait3A_50 : memref<1x40x128xi32, #tpu.memory_space<hbm>> -> memref<40x128xi32, #tpu.memory_space<hbm>>
      %dma_wait3A_52 = arith.constant 0 : i32
      %dma_wait3A_53 = arith.constant 0 : i32
      %dma_wait3A_54 = tpu.memref_slice %arg2[%add3A, %dma_wait3A_52, %dma_wait3A_53] : memref<32x80x128xi32, #tpu.memory_space<hbm>> -> memref<1x40x128xi32, #tpu.memory_space<hbm>>
      %dma_wait3A_55 = tpu.memref_squeeze %dma_wait3A_54 : memref<1x40x128xi32, #tpu.memory_space<hbm>> -> memref<40x128xi32, #tpu.memory_space<hbm>>
      tpu.wait_dma2 semaphore(%run_scoped3A : memref<!tpu.dma_semaphore, #tpu.memory_space<semaphore_mem>>) src(%dma_wait3A_55 : memref<40x128xi32, #tpu.memory_space<hbm>>) dst(%arg7 : memref<40x128xi32, #tpu.memory_space<vmem>>)
      tpu.yield
    }) : () -> ()
    "tpu.region"() ({
      %run_scoped3A = tpu.sem_alloc : memref<!tpu.dma_semaphore, #tpu.memory_space<semaphore_mem>>
      %dma_start3A_41 = arith.constant 0 : i32
      %dma_start3A_42 = arith.constant 0 : i32
      %dma_start3A_43 = tpu.memref_slice %arg3[%add3A, %dma_start3A_41, %dma_start3A_42] : memref<32x80x128xi32, #tpu.memory_space<hbm>> -> memref<1x40x128xi32, #tpu.memory_space<hbm>>
      %dma_start3A_44 = tpu.memref_squeeze %dma_start3A_43 : memref<1x40x128xi32, #tpu.memory_space<hbm>> -> memref<40x128xi32, #tpu.memory_space<hbm>>
      %dma_start3A_45 = arith.constant 0 : i32
      %dma_start3A_46 = arith.constant 0 : i32
      %dma_start3A_47 = tpu.memref_slice %arg3[%add3A, %dma_start3A_45, %dma_start3A_46] : memref<32x80x128xi32, #tpu.memory_space<hbm>> -> memref<1x40x128xi32, #tpu.memory_space<hbm>>
      %dma_start3A_48 = tpu.memref_squeeze %dma_start3A_47 : memref<1x40x128xi32, #tpu.memory_space<hbm>> -> memref<40x128xi32, #tpu.memory_space<hbm>>
      tpu.enqueue_dma source(%dma_start3A_48 : memref<40x128xi32, #tpu.memory_space<hbm>>) target(%arg8 : memref<40x128xi32, #tpu.memory_space<vmem>>) target_semaphore(%run_scoped3A : memref<!tpu.dma_semaphore, #tpu.memory_space<semaphore_mem>>)
      %dma_wait3A = arith.constant 0 : i32
      %dma_wait3A_49 = arith.constant 0 : i32
      %dma_wait3A_50 = tpu.memref_slice %arg3[%add3A, %dma_wait3A, %dma_wait3A_49] : memref<32x80x128xi32, #tpu.memory_space<hbm>> -> memref<1x40x128xi32, #tpu.memory_space<hbm>>
      %dma_wait3A_51 = tpu.memref_squeeze %dma_wait3A_50 : memref<1x40x128xi32, #tpu.memory_space<hbm>> -> memref<40x128xi32, #tpu.memory_space<hbm>>
      %dma_wait3A_52 = arith.constant 0 : i32
      %dma_wait3A_53 = arith.constant 0 : i32
      %dma_wait3A_54 = tpu.memref_slice %arg3[%add3A, %dma_wait3A_52, %dma_wait3A_53] : memref<32x80x128xi32, #tpu.memory_space<hbm>> -> memref<1x40x128xi32, #tpu.memory_space<hbm>>
      %dma_wait3A_55 = tpu.memref_squeeze %dma_wait3A_54 : memref<1x40x128xi32, #tpu.memory_space<hbm>> -> memref<40x128xi32, #tpu.memory_space<hbm>>
      tpu.wait_dma2 semaphore(%run_scoped3A : memref<!tpu.dma_semaphore, #tpu.memory_space<semaphore_mem>>) src(%dma_wait3A_55 : memref<40x128xi32, #tpu.memory_space<hbm>>) dst(%arg8 : memref<40x128xi32, #tpu.memory_space<vmem>>)
      tpu.yield
    }) : () -> ()
    %dma_start3A = arith.constant 0 : i32
    %dma_start3A_7 = arith.constant 0 : i32
    %dma_start3A_8 = tpu.memref_slice %arg7[%dma_start3A, %dma_start3A_7] : memref<40x128xi32, #tpu.memory_space<vmem>> -> memref<1x128xi32, #tpu.memory_space<vmem>>
    %dma_start3A_9 = tpu.memref_squeeze %dma_start3A_8 : memref<1x128xi32, #tpu.memory_space<vmem>> -> memref<128xi32, #tpu.memory_space<vmem>>
    %dma_start3A_10 = arith.constant 0 : i32
    %dma_start3A_11 = arith.constant 0 : i32
    %dma_start3A_12 = tpu.memref_slice %arg4[%dma_start3A_10, %dma_start3A_11] : memref<10000x128xf32, #tpu.memory_space<hbm>> -> memref<10000x128xf32, #tpu.memory_space<hbm>>
    tpu.enqueue_indirect_dma source(%dma_start3A_12 : memref<10000x128xf32, #tpu.memory_space<hbm>>) target(%arg9 : memref<128x128xf32, #tpu.memory_space<vmem>>) offsets(%dma_start3A_9 : memref<128xi32, #tpu.memory_space<vmem>>) semaphore(%arg12 : memref<!tpu.dma_semaphore, #tpu.memory_space<semaphore_mem>>)
    %scan3A = arith.constant 0 : i32
    %scan3A_13 = arith.constant 0 : i32
    %scan3A_14 = arith.constant 20 : i32
    %scan3A_15 = arith.addi %scan3A_13, %scan3A_14 : i32
    %scan3A_16 = arith.constant 1 : i32
    scf.for %scan3A_41 = %scan3A_13 to %scan3A_15 step %scan3A_16  : i32 {
      %mul3A_42 = arith.constant 2 : i32
      %mul3A_43 = arith.muli %scan3A_41, %mul3A_42 : i32
      %add3A_44 = arith.constant 1 : i32
      %add3A_45 = arith.addi %mul3A_43, %add3A_44 : i32
      %dma_start3A_46 = arith.constant 0 : i32
      %dma_start3A_47 = tpu.memref_slice %arg7[%add3A_45, %dma_start3A_46] : memref<40x128xi32, #tpu.memory_space<vmem>> -> memref<1x128xi32, #tpu.memory_space<vmem>>
      %dma_start3A_48 = tpu.memref_squeeze %dma_start3A_47 : memref<1x128xi32, #tpu.memory_space<vmem>> -> memref<128xi32, #tpu.memory_space<vmem>>
      %dma_start3A_49 = arith.constant 0 : i32
      %dma_start3A_50 = arith.constant 0 : i32
      %dma_start3A_51 = tpu.memref_slice %arg4[%dma_start3A_49, %dma_start3A_50] : memref<10000x128xf32, #tpu.memory_space<hbm>> -> memref<10000x128xf32, #tpu.memory_space<hbm>>
      tpu.enqueue_indirect_dma source(%dma_start3A_51 : memref<10000x128xf32, #tpu.memory_space<hbm>>) target(%arg10 : memref<128x128xf32, #tpu.memory_space<vmem>>) offsets(%dma_start3A_48 : memref<128xi32, #tpu.memory_space<vmem>>) semaphore(%arg13 : memref<!tpu.dma_semaphore, #tpu.memory_space<semaphore_mem>>)
      %dma_wait3A = arith.constant 0 : i32
      %dma_wait3A_52 = tpu.memref_slice %arg7[%mul3A_43, %dma_wait3A] : memref<40x128xi32, #tpu.memory_space<vmem>> -> memref<1x128xi32, #tpu.memory_space<vmem>>
      %dma_wait3A_53 = tpu.memref_squeeze %dma_wait3A_52 : memref<1x128xi32, #tpu.memory_space<vmem>> -> memref<128xi32, #tpu.memory_space<vmem>>
      %dma_wait3A_54 = arith.constant 0 : i32
      %dma_wait3A_55 = arith.constant 0 : i32
      %dma_wait3A_56 = tpu.memref_slice %arg4[%dma_wait3A_54, %dma_wait3A_55] : memref<10000x128xf32, #tpu.memory_space<hbm>> -> memref<10000x128xf32, #tpu.memory_space<hbm>>
      tpu.wait_indirect_dma semaphore(%arg12 : memref<!tpu.dma_semaphore, #tpu.memory_space<semaphore_mem>>) src(%dma_wait3A_56 : memref<10000x128xf32, #tpu.memory_space<hbm>>) dst(%arg9 : memref<128x128xf32, #tpu.memory_space<vmem>>)
      "tpu.region"() ({
        %run_scoped3A = tpu.sem_alloc : memref<!tpu.dma_semaphore, #tpu.memory_space<semaphore_mem>>
        %dma_start3A_67 = arith.constant 0 : i32
        %dma_start3A_68 = tpu.memref_slice %arg8[%mul3A_43, %dma_start3A_67] : memref<40x128xi32, #tpu.memory_space<vmem>> -> memref<1x128xi32, #tpu.memory_space<vmem>>
        %dma_start3A_69 = tpu.memref_squeeze %dma_start3A_68 : memref<1x128xi32, #tpu.memory_space<vmem>> -> memref<128xi32, #tpu.memory_space<vmem>>
        %dma_start3A_70 = arith.constant 0 : i32
        %dma_start3A_71 = arith.constant 0 : i32
        %dma_start3A_72 = tpu.memref_slice %arg11[%dma_start3A_70, %dma_start3A_71] : memref<10128x128xf32, #tpu.memory_space<vmem_shared>> -> memref<10128x128xf32, #tpu.memory_space<vmem_shared>>
        tpu.enqueue_indirect_dma source(%arg9 : memref<128x128xf32, #tpu.memory_space<vmem>>) target(%dma_start3A_72 : memref<10128x128xf32, #tpu.memory_space<vmem_shared>>) offsets(%dma_start3A_69 : memref<128xi32, #tpu.memory_space<vmem>>) semaphore(%run_scoped3A : memref<!tpu.dma_semaphore, #tpu.memory_space<semaphore_mem>>) {add = true}
        %dma_wait3A_73 = arith.constant 0 : i32
        %dma_wait3A_74 = tpu.memref_slice %arg8[%mul3A_43, %dma_wait3A_73] : memref<40x128xi32, #tpu.memory_space<vmem>> -> memref<1x128xi32, #tpu.memory_space<vmem>>
        %dma_wait3A_75 = tpu.memref_squeeze %dma_wait3A_74 : memref<1x128xi32, #tpu.memory_space<vmem>> -> memref<128xi32, #tpu.memory_space<vmem>>
        %dma_wait3A_76 = arith.constant 0 : i32
        %dma_wait3A_77 = arith.constant 0 : i32
        %dma_wait3A_78 = tpu.memref_slice %arg11[%dma_wait3A_76, %dma_wait3A_77] : memref<10128x128xf32, #tpu.memory_space<vmem_shared>> -> memref<10128x128xf32, #tpu.memory_space<vmem_shared>>
        tpu.wait_indirect_dma semaphore(%run_scoped3A : memref<!tpu.dma_semaphore, #tpu.memory_space<semaphore_mem>>) src(%arg9 : memref<128x128xf32, #tpu.memory_space<vmem>>) dst(%dma_wait3A_78 : memref<10128x128xf32, #tpu.memory_space<vmem_shared>>)
        tpu.yield
      }) : () -> ()
      %lt3A = arith.constant 19 : i32
      %lt3A_57 = arith.cmpi slt, %scan3A_41, %lt3A : i32
      %convert_element_type3A_58 = arith.extui %lt3A_57 : i1 to i32
      %cond3A_59 = arith.constant 0 : i32
      %cond3A_60 = arith.cmpi ne, %convert_element_type3A_58, %cond3A_59 : i32
      scf.if %cond3A_60 {
        %add3A_67 = arith.constant 2 : i32
        %add3A_68 = arith.addi %mul3A_43, %add3A_67 : i32
        %dma_start3A_69 = arith.constant 0 : i32
        %dma_start3A_70 = tpu.memref_slice %arg7[%add3A_68, %dma_start3A_69] : memref<40x128xi32, #tpu.memory_space<vmem>> -> memref<1x128xi32, #tpu.memory_space<vmem>>
        %dma_start3A_71 = tpu.memref_squeeze %dma_start3A_70 : memref<1x128xi32, #tpu.memory_space<vmem>> -> memref<128xi32, #tpu.memory_space<vmem>>
        %dma_start3A_72 = arith.constant 0 : i32
        %dma_start3A_73 = arith.constant 0 : i32
        %dma_start3A_74 = tpu.memref_slice %arg4[%dma_start3A_72, %dma_start3A_73] : memref<10000x128xf32, #tpu.memory_space<hbm>> -> memref<10000x128xf32, #tpu.memory_space<hbm>>
        tpu.enqueue_indirect_dma source(%dma_start3A_74 : memref<10000x128xf32, #tpu.memory_space<hbm>>) target(%arg9 : memref<128x128xf32, #tpu.memory_space<vmem>>) offsets(%dma_start3A_71 : memref<128xi32, #tpu.memory_space<vmem>>) semaphore(%arg12 : memref<!tpu.dma_semaphore, #tpu.memory_space<semaphore_mem>>)
      } else {
      }
      %dma_wait3A_61 = arith.constant 0 : i32
      %dma_wait3A_62 = tpu.memref_slice %arg7[%add3A_45, %dma_wait3A_61] : memref<40x128xi32, #tpu.memory_space<vmem>> -> memref<1x128xi32, #tpu.memory_space<vmem>>
      %dma_wait3A_63 = tpu.memref_squeeze %dma_wait3A_62 : memref<1x128xi32, #tpu.memory_space<vmem>> -> memref<128xi32, #tpu.memory_space<vmem>>
      %dma_wait3A_64 = arith.constant 0 : i32
      %dma_wait3A_65 = arith.constant 0 : i32
      %dma_wait3A_66 = tpu.memref_slice %arg4[%dma_wait3A_64, %dma_wait3A_65] : memref<10000x128xf32, #tpu.memory_space<hbm>> -> memref<10000x128xf32, #tpu.memory_space<hbm>>
      tpu.wait_indirect_dma semaphore(%arg13 : memref<!tpu.dma_semaphore, #tpu.memory_space<semaphore_mem>>) src(%dma_wait3A_66 : memref<10000x128xf32, #tpu.memory_space<hbm>>) dst(%arg10 : memref<128x128xf32, #tpu.memory_space<vmem>>)
      "tpu.region"() ({
        %run_scoped3A = tpu.sem_alloc : memref<!tpu.dma_semaphore, #tpu.memory_space<semaphore_mem>>
        %dma_start3A_67 = arith.constant 0 : i32
        %dma_start3A_68 = tpu.memref_slice %arg8[%add3A_45, %dma_start3A_67] : memref<40x128xi32, #tpu.memory_space<vmem>> -> memref<1x128xi32, #tpu.memory_space<vmem>>
        %dma_start3A_69 = tpu.memref_squeeze %dma_start3A_68 : memref<1x128xi32, #tpu.memory_space<vmem>> -> memref<128xi32, #tpu.memory_space<vmem>>
        %dma_start3A_70 = arith.constant 0 : i32
        %dma_start3A_71 = arith.constant 0 : i32
        %dma_start3A_72 = tpu.memref_slice %arg11[%dma_start3A_70, %dma_start3A_71] : memref<10128x128xf32, #tpu.memory_space<vmem_shared>> -> memref<10128x128xf32, #tpu.memory_space<vmem_shared>>
        tpu.enqueue_indirect_dma source(%arg10 : memref<128x128xf32, #tpu.memory_space<vmem>>) target(%dma_start3A_72 : memref<10128x128xf32, #tpu.memory_space<vmem_shared>>) offsets(%dma_start3A_69 : memref<128xi32, #tpu.memory_space<vmem>>) semaphore(%run_scoped3A : memref<!tpu.dma_semaphore, #tpu.memory_space<semaphore_mem>>) {add = true}
        %dma_wait3A_73 = arith.constant 0 : i32
        %dma_wait3A_74 = tpu.memref_slice %arg8[%add3A_45, %dma_wait3A_73] : memref<40x128xi32, #tpu.memory_space<vmem>> -> memref<1x128xi32, #tpu.memory_space<vmem>>
        %dma_wait3A_75 = tpu.memref_squeeze %dma_wait3A_74 : memref<1x128xi32, #tpu.memory_space<vmem>> -> memref<128xi32, #tpu.memory_space<vmem>>
        %dma_wait3A_76 = arith.constant 0 : i32
        %dma_wait3A_77 = arith.constant 0 : i32
        %dma_wait3A_78 = tpu.memref_slice %arg11[%dma_wait3A_76, %dma_wait3A_77] : memref<10128x128xf32, #tpu.memory_space<vmem_shared>> -> memref<10128x128xf32, #tpu.memory_space<vmem_shared>>
        tpu.wait_indirect_dma semaphore(%run_scoped3A : memref<!tpu.dma_semaphore, #tpu.memory_space<semaphore_mem>>) src(%arg10 : memref<128x128xf32, #tpu.memory_space<vmem>>) dst(%dma_wait3A_78 : memref<10128x128xf32, #tpu.memory_space<vmem_shared>>)
        tpu.yield
      }) : () -> ()
    }
    %scan3A_17 = arith.constant 20 : i32
    "tpu.region"() ({
      %run_scoped3A = tpu.sem_alloc : memref<!tpu.dma_semaphore, #tpu.memory_space<semaphore_mem>>
      %dma_start3A_41 = arith.constant 40 : i32
      %dma_start3A_42 = arith.constant 0 : i32
      %dma_start3A_43 = tpu.memref_slice %arg2[%add3A, %dma_start3A_41, %dma_start3A_42] : memref<32x80x128xi32, #tpu.memory_space<hbm>> -> memref<1x40x128xi32, #tpu.memory_space<hbm>>
      %dma_start3A_44 = tpu.memref_squeeze %dma_start3A_43 : memref<1x40x128xi32, #tpu.memory_space<hbm>> -> memref<40x128xi32, #tpu.memory_space<hbm>>
      %dma_start3A_45 = arith.constant 40 : i32
      %dma_start3A_46 = arith.constant 0 : i32
      %dma_start3A_47 = tpu.memref_slice %arg2[%add3A, %dma_start3A_45, %dma_start3A_46] : memref<32x80x128xi32, #tpu.memory_space<hbm>> -> memref<1x40x128xi32, #tpu.memory_space<hbm>>
      %dma_start3A_48 = tpu.memref_squeeze %dma_start3A_47 : memref<1x40x128xi32, #tpu.memory_space<hbm>> -> memref<40x128xi32, #tpu.memory_space<hbm>>
      tpu.enqueue_dma source(%dma_start3A_48 : memref<40x128xi32, #tpu.memory_space<hbm>>) target(%arg7 : memref<40x128xi32, #tpu.memory_space<vmem>>) target_semaphore(%run_scoped3A : memref<!tpu.dma_semaphore, #tpu.memory_space<semaphore_mem>>)
      %dma_wait3A = arith.constant 40 : i32
      %dma_wait3A_49 = arith.constant 0 : i32
      %dma_wait3A_50 = tpu.memref_slice %arg2[%add3A, %dma_wait3A, %dma_wait3A_49] : memref<32x80x128xi32, #tpu.memory_space<hbm>> -> memref<1x40x128xi32, #tpu.memory_space<hbm>>
      %dma_wait3A_51 = tpu.memref_squeeze %dma_wait3A_50 : memref<1x40x128xi32, #tpu.memory_space<hbm>> -> memref<40x128xi32, #tpu.memory_space<hbm>>
      %dma_wait3A_52 = arith.constant 40 : i32
      %dma_wait3A_53 = arith.constant 0 : i32
      %dma_wait3A_54 = tpu.memref_slice %arg2[%add3A, %dma_wait3A_52, %dma_wait3A_53] : memref<32x80x128xi32, #tpu.memory_space<hbm>> -> memref<1x40x128xi32, #tpu.memory_space<hbm>>
      %dma_wait3A_55 = tpu.memref_squeeze %dma_wait3A_54 : memref<1x40x128xi32, #tpu.memory_space<hbm>> -> memref<40x128xi32, #tpu.memory_space<hbm>>
      tpu.wait_dma2 semaphore(%run_scoped3A : memref<!tpu.dma_semaphore, #tpu.memory_space<semaphore_mem>>) src(%dma_wait3A_55 : memref<40x128xi32, #tpu.memory_space<hbm>>) dst(%arg7 : memref<40x128xi32, #tpu.memory_space<vmem>>)
      tpu.yield
    }) : () -> ()
    "tpu.region"() ({
      %run_scoped3A = tpu.sem_alloc : memref<!tpu.dma_semaphore, #tpu.memory_space<semaphore_mem>>
      %dma_start3A_41 = arith.constant 40 : i32
      %dma_start3A_42 = arith.constant 0 : i32
      %dma_start3A_43 = tpu.memref_slice %arg3[%add3A, %dma_start3A_41, %dma_start3A_42] : memref<32x80x128xi32, #tpu.memory_space<hbm>> -> memref<1x40x128xi32, #tpu.memory_space<hbm>>
      %dma_start3A_44 = tpu.memref_squeeze %dma_start3A_43 : memref<1x40x128xi32, #tpu.memory_space<hbm>> -> memref<40x128xi32, #tpu.memory_space<hbm>>
      %dma_start3A_45 = arith.constant 40 : i32
      %dma_start3A_46 = arith.constant 0 : i32
      %dma_start3A_47 = tpu.memref_slice %arg3[%add3A, %dma_start3A_45, %dma_start3A_46] : memref<32x80x128xi32, #tpu.memory_space<hbm>> -> memref<1x40x128xi32, #tpu.memory_space<hbm>>
      %dma_start3A_48 = tpu.memref_squeeze %dma_start3A_47 : memref<1x40x128xi32, #tpu.memory_space<hbm>> -> memref<40x128xi32, #tpu.memory_space<hbm>>
      tpu.enqueue_dma source(%dma_start3A_48 : memref<40x128xi32, #tpu.memory_space<hbm>>) target(%arg8 : memref<40x128xi32, #tpu.memory_space<vmem>>) target_semaphore(%run_scoped3A : memref<!tpu.dma_semaphore, #tpu.memory_space<semaphore_mem>>)
      %dma_wait3A = arith.constant 40 : i32
      %dma_wait3A_49 = arith.constant 0 : i32
      %dma_wait3A_50 = tpu.memref_slice %arg3[%add3A, %dma_wait3A, %dma_wait3A_49] : memref<32x80x128xi32, #tpu.memory_space<hbm>> -> memref<1x40x128xi32, #tpu.memory_space<hbm>>
      %dma_wait3A_51 = tpu.memref_squeeze %dma_wait3A_50 : memref<1x40x128xi32, #tpu.memory_space<hbm>> -> memref<40x128xi32, #tpu.memory_space<hbm>>
      %dma_wait3A_52 = arith.constant 40 : i32
      %dma_wait3A_53 = arith.constant 0 : i32
      %dma_wait3A_54 = tpu.memref_slice %arg3[%add3A, %dma_wait3A_52, %dma_wait3A_53] : memref<32x80x128xi32, #tpu.memory_space<hbm>> -> memref<1x40x128xi32, #tpu.memory_space<hbm>>
      %dma_wait3A_55 = tpu.memref_squeeze %dma_wait3A_54 : memref<1x40x128xi32, #tpu.memory_space<hbm>> -> memref<40x128xi32, #tpu.memory_space<hbm>>
      tpu.wait_dma2 semaphore(%run_scoped3A : memref<!tpu.dma_semaphore, #tpu.memory_space<semaphore_mem>>) src(%dma_wait3A_55 : memref<40x128xi32, #tpu.memory_space<hbm>>) dst(%arg8 : memref<40x128xi32, #tpu.memory_space<vmem>>)
      tpu.yield
    }) : () -> ()
    %dma_start3A_18 = arith.constant 0 : i32
    %dma_start3A_19 = arith.constant 0 : i32
    %dma_start3A_20 = tpu.memref_slice %arg7[%dma_start3A_18, %dma_start3A_19] : memref<40x128xi32, #tpu.memory_space<vmem>> -> memref<1x128xi32, #tpu.memory_space<vmem>>
    %dma_start3A_21 = tpu.memref_squeeze %dma_start3A_20 : memref<1x128xi32, #tpu.memory_space<vmem>> -> memref<128xi32, #tpu.memory_space<vmem>>
    %dma_start3A_22 = arith.constant 0 : i32
    %dma_start3A_23 = arith.constant 0 : i32
    %dma_start3A_24 = tpu.memref_slice %arg4[%dma_start3A_22, %dma_start3A_23] : memref<10000x128xf32, #tpu.memory_space<hbm>> -> memref<10000x128xf32, #tpu.memory_space<hbm>>
    tpu.enqueue_indirect_dma source(%dma_start3A_24 : memref<10000x128xf32, #tpu.memory_space<hbm>>) target(%arg9 : memref<128x128xf32, #tpu.memory_space<vmem>>) offsets(%dma_start3A_21 : memref<128xi32, #tpu.memory_space<vmem>>) semaphore(%arg12 : memref<!tpu.dma_semaphore, #tpu.memory_space<semaphore_mem>>)
    %scan3A_25 = arith.constant 0 : i32
    %scan3A_26 = arith.constant 0 : i32
    %scan3A_27 = arith.constant 20 : i32
    %scan3A_28 = arith.addi %scan3A_26, %scan3A_27 : i32
    %scan3A_29 = arith.constant 1 : i32
    scf.for %scan3A_41 = %scan3A_26 to %scan3A_28 step %scan3A_29  : i32 {
      %mul3A_42 = arith.constant 2 : i32
      %mul3A_43 = arith.muli %scan3A_41, %mul3A_42 : i32
      %add3A_44 = arith.constant 1 : i32
      %add3A_45 = arith.addi %mul3A_43, %add3A_44 : i32
      %dma_start3A_46 = arith.constant 0 : i32
      %dma_start3A_47 = tpu.memref_slice %arg7[%add3A_45, %dma_start3A_46] : memref<40x128xi32, #tpu.memory_space<vmem>> -> memref<1x128xi32, #tpu.memory_space<vmem>>
      %dma_start3A_48 = tpu.memref_squeeze %dma_start3A_47 : memref<1x128xi32, #tpu.memory_space<vmem>> -> memref<128xi32, #tpu.memory_space<vmem>>
      %dma_start3A_49 = arith.constant 0 : i32
      %dma_start3A_50 = arith.constant 0 : i32
      %dma_start3A_51 = tpu.memref_slice %arg4[%dma_start3A_49, %dma_start3A_50] : memref<10000x128xf32, #tpu.memory_space<hbm>> -> memref<10000x128xf32, #tpu.memory_space<hbm>>
      tpu.enqueue_indirect_dma source(%dma_start3A_51 : memref<10000x128xf32, #tpu.memory_space<hbm>>) target(%arg10 : memref<128x128xf32, #tpu.memory_space<vmem>>) offsets(%dma_start3A_48 : memref<128xi32, #tpu.memory_space<vmem>>) semaphore(%arg13 : memref<!tpu.dma_semaphore, #tpu.memory_space<semaphore_mem>>)
      %dma_wait3A = arith.constant 0 : i32
      %dma_wait3A_52 = tpu.memref_slice %arg7[%mul3A_43, %dma_wait3A] : memref<40x128xi32, #tpu.memory_space<vmem>> -> memref<1x128xi32, #tpu.memory_space<vmem>>
      %dma_wait3A_53 = tpu.memref_squeeze %dma_wait3A_52 : memref<1x128xi32, #tpu.memory_space<vmem>> -> memref<128xi32, #tpu.memory_space<vmem>>
      %dma_wait3A_54 = arith.constant 0 : i32
      %dma_wait3A_55 = arith.constant 0 : i32
      %dma_wait3A_56 = tpu.memref_slice %arg4[%dma_wait3A_54, %dma_wait3A_55] : memref<10000x128xf32, #tpu.memory_space<hbm>> -> memref<10000x128xf32, #tpu.memory_space<hbm>>
      tpu.wait_indirect_dma semaphore(%arg12 : memref<!tpu.dma_semaphore, #tpu.memory_space<semaphore_mem>>) src(%dma_wait3A_56 : memref<10000x128xf32, #tpu.memory_space<hbm>>) dst(%arg9 : memref<128x128xf32, #tpu.memory_space<vmem>>)
      "tpu.region"() ({
        %run_scoped3A = tpu.sem_alloc : memref<!tpu.dma_semaphore, #tpu.memory_space<semaphore_mem>>
        %dma_start3A_67 = arith.constant 0 : i32
        %dma_start3A_68 = tpu.memref_slice %arg8[%mul3A_43, %dma_start3A_67] : memref<40x128xi32, #tpu.memory_space<vmem>> -> memref<1x128xi32, #tpu.memory_space<vmem>>
        %dma_start3A_69 = tpu.memref_squeeze %dma_start3A_68 : memref<1x128xi32, #tpu.memory_space<vmem>> -> memref<128xi32, #tpu.memory_space<vmem>>
        %dma_start3A_70 = arith.constant 0 : i32
        %dma_start3A_71 = arith.constant 0 : i32
        %dma_start3A_72 = tpu.memref_slice %arg11[%dma_start3A_70, %dma_start3A_71] : memref<10128x128xf32, #tpu.memory_space<vmem_shared>> -> memref<10128x128xf32, #tpu.memory_space<vmem_shared>>
        tpu.enqueue_indirect_dma source(%arg9 : memref<128x128xf32, #tpu.memory_space<vmem>>) target(%dma_start3A_72 : memref<10128x128xf32, #tpu.memory_space<vmem_shared>>) offsets(%dma_start3A_69 : memref<128xi32, #tpu.memory_space<vmem>>) semaphore(%run_scoped3A : memref<!tpu.dma_semaphore, #tpu.memory_space<semaphore_mem>>) {add = true}
        %dma_wait3A_73 = arith.constant 0 : i32
        %dma_wait3A_74 = tpu.memref_slice %arg8[%mul3A_43, %dma_wait3A_73] : memref<40x128xi32, #tpu.memory_space<vmem>> -> memref<1x128xi32, #tpu.memory_space<vmem>>
        %dma_wait3A_75 = tpu.memref_squeeze %dma_wait3A_74 : memref<1x128xi32, #tpu.memory_space<vmem>> -> memref<128xi32, #tpu.memory_space<vmem>>
        %dma_wait3A_76 = arith.constant 0 : i32
        %dma_wait3A_77 = arith.constant 0 : i32
        %dma_wait3A_78 = tpu.memref_slice %arg11[%dma_wait3A_76, %dma_wait3A_77] : memref<10128x128xf32, #tpu.memory_space<vmem_shared>> -> memref<10128x128xf32, #tpu.memory_space<vmem_shared>>
        tpu.wait_indirect_dma semaphore(%run_scoped3A : memref<!tpu.dma_semaphore, #tpu.memory_space<semaphore_mem>>) src(%arg9 : memref<128x128xf32, #tpu.memory_space<vmem>>) dst(%dma_wait3A_78 : memref<10128x128xf32, #tpu.memory_space<vmem_shared>>)
        tpu.yield
      }) : () -> ()
      %lt3A = arith.constant 19 : i32
      %lt3A_57 = arith.cmpi slt, %scan3A_41, %lt3A : i32
      %convert_element_type3A_58 = arith.extui %lt3A_57 : i1 to i32
      %cond3A_59 = arith.constant 0 : i32
      %cond3A_60 = arith.cmpi ne, %convert_element_type3A_58, %cond3A_59 : i32
      scf.if %cond3A_60 {
        %add3A_67 = arith.constant 2 : i32
        %add3A_68 = arith.addi %mul3A_43, %add3A_67 : i32
        %dma_start3A_69 = arith.constant 0 : i32
        %dma_start3A_70 = tpu.memref_slice %arg7[%add3A_68, %dma_start3A_69] : memref<40x128xi32, #tpu.memory_space<vmem>> -> memref<1x128xi32, #tpu.memory_space<vmem>>
        %dma_start3A_71 = tpu.memref_squeeze %dma_start3A_70 : memref<1x128xi32, #tpu.memory_space<vmem>> -> memref<128xi32, #tpu.memory_space<vmem>>
        %dma_start3A_72 = arith.constant 0 : i32
        %dma_start3A_73 = arith.constant 0 : i32
        %dma_start3A_74 = tpu.memref_slice %arg4[%dma_start3A_72, %dma_start3A_73] : memref<10000x128xf32, #tpu.memory_space<hbm>> -> memref<10000x128xf32, #tpu.memory_space<hbm>>
        tpu.enqueue_indirect_dma source(%dma_start3A_74 : memref<10000x128xf32, #tpu.memory_space<hbm>>) target(%arg9 : memref<128x128xf32, #tpu.memory_space<vmem>>) offsets(%dma_start3A_71 : memref<128xi32, #tpu.memory_space<vmem>>) semaphore(%arg12 : memref<!tpu.dma_semaphore, #tpu.memory_space<semaphore_mem>>)
      } else {
      }
      %dma_wait3A_61 = arith.constant 0 : i32
      %dma_wait3A_62 = tpu.memref_slice %arg7[%add3A_45, %dma_wait3A_61] : memref<40x128xi32, #tpu.memory_space<vmem>> -> memref<1x128xi32, #tpu.memory_space<vmem>>
      %dma_wait3A_63 = tpu.memref_squeeze %dma_wait3A_62 : memref<1x128xi32, #tpu.memory_space<vmem>> -> memref<128xi32, #tpu.memory_space<vmem>>
      %dma_wait3A_64 = arith.constant 0 : i32
      %dma_wait3A_65 = arith.constant 0 : i32
      %dma_wait3A_66 = tpu.memref_slice %arg4[%dma_wait3A_64, %dma_wait3A_65] : memref<10000x128xf32, #tpu.memory_space<hbm>> -> memref<10000x128xf32, #tpu.memory_space<hbm>>
      tpu.wait_indirect_dma semaphore(%arg13 : memref<!tpu.dma_semaphore, #tpu.memory_space<semaphore_mem>>) src(%dma_wait3A_66 : memref<10000x128xf32, #tpu.memory_space<hbm>>) dst(%arg10 : memref<128x128xf32, #tpu.memory_space<vmem>>)
      "tpu.region"() ({
        %run_scoped3A = tpu.sem_alloc : memref<!tpu.dma_semaphore, #tpu.memory_space<semaphore_mem>>
        %dma_start3A_67 = arith.constant 0 : i32
        %dma_start3A_68 = tpu.memref_slice %arg8[%add3A_45, %dma_start3A_67] : memref<40x128xi32, #tpu.memory_space<vmem>> -> memref<1x128xi32, #tpu.memory_space<vmem>>
        %dma_start3A_69 = tpu.memref_squeeze %dma_start3A_68 : memref<1x128xi32, #tpu.memory_space<vmem>> -> memref<128xi32, #tpu.memory_space<vmem>>
        %dma_start3A_70 = arith.constant 0 : i32
        %dma_start3A_71 = arith.constant 0 : i32
        %dma_start3A_72 = tpu.memref_slice %arg11[%dma_start3A_70, %dma_start3A_71] : memref<10128x128xf32, #tpu.memory_space<vmem_shared>> -> memref<10128x128xf32, #tpu.memory_space<vmem_shared>>
        tpu.enqueue_indirect_dma source(%arg10 : memref<128x128xf32, #tpu.memory_space<vmem>>) target(%dma_start3A_72 : memref<10128x128xf32, #tpu.memory_space<vmem_shared>>) offsets(%dma_start3A_69 : memref<128xi32, #tpu.memory_space<vmem>>) semaphore(%run_scoped3A : memref<!tpu.dma_semaphore, #tpu.memory_space<semaphore_mem>>) {add = true}
        %dma_wait3A_73 = arith.constant 0 : i32
        %dma_wait3A_74 = tpu.memref_slice %arg8[%add3A_45, %dma_wait3A_73] : memref<40x128xi32, #tpu.memory_space<vmem>> -> memref<1x128xi32, #tpu.memory_space<vmem>>
        %dma_wait3A_75 = tpu.memref_squeeze %dma_wait3A_74 : memref<1x128xi32, #tpu.memory_space<vmem>> -> memref<128xi32, #tpu.memory_space<vmem>>
        %dma_wait3A_76 = arith.constant 0 : i32
        %dma_wait3A_77 = arith.constant 0 : i32
        %dma_wait3A_78 = tpu.memref_slice %arg11[%dma_wait3A_76, %dma_wait3A_77] : memref<10128x128xf32, #tpu.memory_space<vmem_shared>> -> memref<10128x128xf32, #tpu.memory_space<vmem_shared>>
        tpu.wait_indirect_dma semaphore(%run_scoped3A : memref<!tpu.dma_semaphore, #tpu.memory_space<semaphore_mem>>) src(%arg10 : memref<128x128xf32, #tpu.memory_space<vmem>>) dst(%dma_wait3A_78 : memref<10128x128xf32, #tpu.memory_space<vmem_shared>>)
        tpu.yield
      }) : () -> ()
    }
    %scan3A_30 = arith.constant 20 : i32
    %barrier3A_31 = arith.constant 0 : index
    tpu.barrier barrier_id(%barrier3A_31)
    %mul3A_32 = arith.constant 624 : i32
    %mul3A_33 = arith.muli %arg1, %mul3A_32 : i32
    %mul3A_34 = arith.constant 624 : i32
    %mul3A_35 = arith.muli %arg1, %mul3A_34 : i32
    "tpu.region"() ({
      %run_scoped3A = tpu.sem_alloc : memref<!tpu.dma_semaphore, #tpu.memory_space<semaphore_mem>>
      %dma_start3A_41 = arith.constant 0 : i32
      %dma_start3A_42 = tpu.memref_slice %arg6[%arg0, %mul3A_35, %dma_start3A_41] : memref<2x10000x128xf32, #tpu.memory_space<hbm>> -> memref<1x624x128xf32, #tpu.memory_space<hbm>>
      %dma_start3A_43 = tpu.memref_squeeze %dma_start3A_42 : memref<1x624x128xf32, #tpu.memory_space<hbm>> -> memref<624x128xf32, #tpu.memory_space<hbm>>
      %dma_start3A_44 = arith.constant 0 : i32
      %dma_start3A_45 = tpu.memref_slice %arg11[%mul3A_33, %dma_start3A_44] : memref<10128x128xf32, #tpu.memory_space<vmem_shared>> -> memref<624x128xf32, #tpu.memory_space<vmem_shared>>
      tpu.enqueue_dma source(%dma_start3A_45 : memref<624x128xf32, #tpu.memory_space<vmem_shared>>) target(%dma_start3A_43 : memref<624x128xf32, #tpu.memory_space<hbm>>) target_semaphore(%run_scoped3A : memref<!tpu.dma_semaphore, #tpu.memory_space<semaphore_mem>>)
      %dma_wait3A = arith.constant 0 : i32
      %dma_wait3A_46 = tpu.memref_slice %arg6[%arg0, %mul3A_35, %dma_wait3A] : memref<2x10000x128xf32, #tpu.memory_space<hbm>> -> memref<1x624x128xf32, #tpu.memory_space<hbm>>
      %dma_wait3A_47 = tpu.memref_squeeze %dma_wait3A_46 : memref<1x624x128xf32, #tpu.memory_space<hbm>> -> memref<624x128xf32, #tpu.memory_space<hbm>>
      %dma_wait3A_48 = arith.constant 0 : i32
      %dma_wait3A_49 = tpu.memref_slice %arg11[%mul3A_33, %dma_wait3A_48] : memref<10128x128xf32, #tpu.memory_space<vmem_shared>> -> memref<624x128xf32, #tpu.memory_space<vmem_shared>>
      tpu.wait_dma2 semaphore(%run_scoped3A : memref<!tpu.dma_semaphore, #tpu.memory_space<semaphore_mem>>) src(%dma_wait3A_49 : memref<624x128xf32, #tpu.memory_space<vmem_shared>>) dst(%dma_wait3A_47 : memref<624x128xf32, #tpu.memory_space<hbm>>)
      tpu.yield
    }) : () -> ()
    %eq3A_36 = arith.constant 0 : i32
    %eq3A_37 = arith.cmpi eq, %arg1, %eq3A_36 : i32
    %convert_element_type3A_38 = arith.extui %eq3A_37 : i1 to i32
    %cond3A_39 = arith.constant 0 : i32
    %cond3A_40 = arith.cmpi ne, %convert_element_type3A_38, %cond3A_39 : i32
    scf.if %cond3A_40 {
      "tpu.region"() ({
        %run_scoped3A = tpu.sem_alloc : memref<!tpu.dma_semaphore, #tpu.memory_space<semaphore_mem>>
        %dma_start3A_41 = arith.constant 9984 : i32
        %dma_start3A_42 = arith.constant 0 : i32
        %dma_start3A_43 = tpu.memref_slice %arg6[%arg0, %dma_start3A_41, %dma_start3A_42] : memref<2x10000x128xf32, #tpu.memory_space<hbm>> -> memref<1x16x128xf32, #tpu.memory_space<hbm>>
        %dma_start3A_44 = tpu.memref_squeeze %dma_start3A_43 : memref<1x16x128xf32, #tpu.memory_space<hbm>> -> memref<16x128xf32, #tpu.memory_space<hbm>>
        %dma_start3A_45 = arith.constant 9984 : i32
        %dma_start3A_46 = arith.constant 0 : i32
        %dma_start3A_47 = tpu.memref_slice %arg11[%dma_start3A_45, %dma_start3A_46] : memref<10128x128xf32, #tpu.memory_space<vmem_shared>> -> memref<16x128xf32, #tpu.memory_space<vmem_shared>>
        tpu.enqueue_dma source(%dma_start3A_47 : memref<16x128xf32, #tpu.memory_space<vmem_shared>>) target(%dma_start3A_44 : memref<16x128xf32, #tpu.memory_space<hbm>>) target_semaphore(%run_scoped3A : memref<!tpu.dma_semaphore, #tpu.memory_space<semaphore_mem>>)
        %dma_wait3A = arith.constant 9984 : i32
        %dma_wait3A_48 = arith.constant 0 : i32
        %dma_wait3A_49 = tpu.memref_slice %arg6[%arg0, %dma_wait3A, %dma_wait3A_48] : memref<2x10000x128xf32, #tpu.memory_space<hbm>> -> memref<1x16x128xf32, #tpu.memory_space<hbm>>
        %dma_wait3A_50 = tpu.memref_squeeze %dma_wait3A_49 : memref<1x16x128xf32, #tpu.memory_space<hbm>> -> memref<16x128xf32, #tpu.memory_space<hbm>>
        %dma_wait3A_51 = arith.constant 9984 : i32
        %dma_wait3A_52 = arith.constant 0 : i32
        %dma_wait3A_53 = tpu.memref_slice %arg11[%dma_wait3A_51, %dma_wait3A_52] : memref<10128x128xf32, #tpu.memory_space<vmem_shared>> -> memref<16x128xf32, #tpu.memory_space<vmem_shared>>
        tpu.wait_dma2 semaphore(%run_scoped3A : memref<!tpu.dma_semaphore, #tpu.memory_space<semaphore_mem>>) src(%dma_wait3A_53 : memref<16x128xf32, #tpu.memory_space<vmem_shared>>) dst(%dma_wait3A_50 : memref<16x128xf32, #tpu.memory_space<hbm>>)
        tpu.yield
      }) : () -> ()
    } else {
    }
    return
  }
}

#map = affine_map<(d0, d1) -> (0, 0, 0)>
#map1 = affine_map<(d0, d1) -> (0, 0)>
module attributes {stable_mosaic.version = 14 : i64} {
  func.func @k(%arg0: i32, %arg1: i32, %arg2: memref<32x80x128xi32, #tpu.memory_space<hbm>>, %arg3: memref<128x128xf32, #tpu.memory_space<hbm>>, %arg4: memref<10000x128xf32, #tpu.memory_space<hbm>>, %arg5: memref<2x10000x128xf32, #tpu.memory_space<hbm>>, %arg6: memref<80x128xi32, #tpu.memory_space<vmem>>, %arg7: memref<128x128xf32, #tpu.memory_space<vmem>>, %arg8: memref<10128x128xf32, #tpu.memory_space<vmem_shared>>) attributes {dimension_semantics = [#tpu.dimension_semantics<core_parallel>, #tpu.dimension_semantics<subcore_parallel>], iteration_bounds = array<i64: 2, 16>, scalar_prefetch = 0 : i64, scratch_operands = 3 : i64, tpu.core_type = #tpu.core_type<sc_vector_subcore>, window_params = [{transform_indices = #map}, {transform_indices = #map1}, {transform_indices = #map1}, {transform_indices = #map}]} {
    %mul3A = arith.constant 2 : i32
    %mul3A_0 = arith.muli %arg1, %mul3A : i32
    %add3A = arith.addi %mul3A_0, %arg0 : i32
    %mul3A_1 = arith.constant 624 : i32
    %mul3A_2 = arith.muli %arg1, %mul3A_1 : i32
    %mul3A_3 = arith.constant 624 : i32
    %mul3A_4 = arith.muli %arg1, %mul3A_3 : i32
    "tpu.region"() ({
      %run_scoped3A = tpu.sem_alloc : memref<!tpu.dma_semaphore, #tpu.memory_space<semaphore_mem>>
      %dma_start3A = arith.constant 0 : i32
      %dma_start3A_22 = tpu.memref_slice %arg8[%mul3A_4, %dma_start3A] : memref<10128x128xf32, #tpu.memory_space<vmem_shared>> -> memref<624x128xf32, #tpu.memory_space<vmem_shared>>
      %dma_start3A_23 = arith.constant 0 : i32
      %dma_start3A_24 = tpu.memref_slice %arg4[%mul3A_2, %dma_start3A_23] : memref<10000x128xf32, #tpu.memory_space<hbm>> -> memref<624x128xf32, #tpu.memory_space<hbm>>
      tpu.enqueue_dma source(%dma_start3A_24 : memref<624x128xf32, #tpu.memory_space<hbm>>) target(%dma_start3A_22 : memref<624x128xf32, #tpu.memory_space<vmem_shared>>) target_semaphore(%run_scoped3A : memref<!tpu.dma_semaphore, #tpu.memory_space<semaphore_mem>>)
      %dma_wait3A = arith.constant 0 : i32
      %dma_wait3A_25 = tpu.memref_slice %arg8[%mul3A_4, %dma_wait3A] : memref<10128x128xf32, #tpu.memory_space<vmem_shared>> -> memref<624x128xf32, #tpu.memory_space<vmem_shared>>
      %dma_wait3A_26 = arith.constant 0 : i32
      %dma_wait3A_27 = tpu.memref_slice %arg4[%mul3A_2, %dma_wait3A_26] : memref<10000x128xf32, #tpu.memory_space<hbm>> -> memref<624x128xf32, #tpu.memory_space<hbm>>
      tpu.wait_dma2 semaphore(%run_scoped3A : memref<!tpu.dma_semaphore, #tpu.memory_space<semaphore_mem>>) src(%dma_wait3A_27 : memref<624x128xf32, #tpu.memory_space<hbm>>) dst(%dma_wait3A_25 : memref<624x128xf32, #tpu.memory_space<vmem_shared>>)
      tpu.yield
    }) : () -> ()
    %eq3A = arith.constant 0 : i32
    %eq3A_5 = arith.cmpi eq, %arg1, %eq3A : i32
    %convert_element_type3A = arith.extui %eq3A_5 : i1 to i32
    %cond3A = arith.constant 0 : i32
    %cond3A_6 = arith.cmpi ne, %convert_element_type3A, %cond3A : i32
    scf.if %cond3A_6 {
      "tpu.region"() ({
        %run_scoped3A = tpu.sem_alloc : memref<!tpu.dma_semaphore, #tpu.memory_space<semaphore_mem>>
        %dma_start3A = arith.constant 9984 : i32
        %dma_start3A_22 = arith.constant 0 : i32
        %dma_start3A_23 = tpu.memref_slice %arg8[%dma_start3A, %dma_start3A_22] : memref<10128x128xf32, #tpu.memory_space<vmem_shared>> -> memref<144x128xf32, #tpu.memory_space<vmem_shared>>
        %dma_start3A_24 = arith.constant 0 : i32
        %dma_start3A_25 = arith.constant 0 : i32
        %dma_start3A_26 = tpu.memref_slice %arg4[%dma_start3A_24, %dma_start3A_25] : memref<10000x128xf32, #tpu.memory_space<hbm>> -> memref<144x128xf32, #tpu.memory_space<hbm>>
        tpu.enqueue_dma source(%dma_start3A_26 : memref<144x128xf32, #tpu.memory_space<hbm>>) target(%dma_start3A_23 : memref<144x128xf32, #tpu.memory_space<vmem_shared>>) target_semaphore(%run_scoped3A : memref<!tpu.dma_semaphore, #tpu.memory_space<semaphore_mem>>)
        %dma_wait3A = arith.constant 9984 : i32
        %dma_wait3A_27 = arith.constant 0 : i32
        %dma_wait3A_28 = tpu.memref_slice %arg8[%dma_wait3A, %dma_wait3A_27] : memref<10128x128xf32, #tpu.memory_space<vmem_shared>> -> memref<144x128xf32, #tpu.memory_space<vmem_shared>>
        %dma_wait3A_29 = arith.constant 0 : i32
        %dma_wait3A_30 = arith.constant 0 : i32
        %dma_wait3A_31 = tpu.memref_slice %arg4[%dma_wait3A_29, %dma_wait3A_30] : memref<10000x128xf32, #tpu.memory_space<hbm>> -> memref<144x128xf32, #tpu.memory_space<hbm>>
        tpu.wait_dma2 semaphore(%run_scoped3A : memref<!tpu.dma_semaphore, #tpu.memory_space<semaphore_mem>>) src(%dma_wait3A_31 : memref<144x128xf32, #tpu.memory_space<hbm>>) dst(%dma_wait3A_28 : memref<144x128xf32, #tpu.memory_space<vmem_shared>>)
        tpu.yield
      }) : () -> ()
    } else {
    }
    "tpu.region"() ({
      %run_scoped3A = tpu.sem_alloc : memref<!tpu.dma_semaphore, #tpu.memory_space<semaphore_mem>>
      %dma_start3A = arith.constant 0 : i32
      %dma_start3A_22 = arith.constant 0 : i32
      %dma_start3A_23 = tpu.memref_slice %arg2[%add3A, %dma_start3A, %dma_start3A_22] : memref<32x80x128xi32, #tpu.memory_space<hbm>> -> memref<1x80x128xi32, #tpu.memory_space<hbm>>
      %dma_start3A_24 = tpu.memref_squeeze %dma_start3A_23 : memref<1x80x128xi32, #tpu.memory_space<hbm>> -> memref<80x128xi32, #tpu.memory_space<hbm>>
      %dma_start3A_25 = arith.constant 0 : i32
      %dma_start3A_26 = arith.constant 0 : i32
      %dma_start3A_27 = tpu.memref_slice %arg2[%add3A, %dma_start3A_25, %dma_start3A_26] : memref<32x80x128xi32, #tpu.memory_space<hbm>> -> memref<1x80x128xi32, #tpu.memory_space<hbm>>
      %dma_start3A_28 = tpu.memref_squeeze %dma_start3A_27 : memref<1x80x128xi32, #tpu.memory_space<hbm>> -> memref<80x128xi32, #tpu.memory_space<hbm>>
      tpu.enqueue_dma source(%dma_start3A_28 : memref<80x128xi32, #tpu.memory_space<hbm>>) target(%arg6 : memref<80x128xi32, #tpu.memory_space<vmem>>) target_semaphore(%run_scoped3A : memref<!tpu.dma_semaphore, #tpu.memory_space<semaphore_mem>>)
      %dma_wait3A = arith.constant 0 : i32
      %dma_wait3A_29 = arith.constant 0 : i32
      %dma_wait3A_30 = tpu.memref_slice %arg2[%add3A, %dma_wait3A, %dma_wait3A_29] : memref<32x80x128xi32, #tpu.memory_space<hbm>> -> memref<1x80x128xi32, #tpu.memory_space<hbm>>
      %dma_wait3A_31 = tpu.memref_squeeze %dma_wait3A_30 : memref<1x80x128xi32, #tpu.memory_space<hbm>> -> memref<80x128xi32, #tpu.memory_space<hbm>>
      %dma_wait3A_32 = arith.constant 0 : i32
      %dma_wait3A_33 = arith.constant 0 : i32
      %dma_wait3A_34 = tpu.memref_slice %arg2[%add3A, %dma_wait3A_32, %dma_wait3A_33] : memref<32x80x128xi32, #tpu.memory_space<hbm>> -> memref<1x80x128xi32, #tpu.memory_space<hbm>>
      %dma_wait3A_35 = tpu.memref_squeeze %dma_wait3A_34 : memref<1x80x128xi32, #tpu.memory_space<hbm>> -> memref<80x128xi32, #tpu.memory_space<hbm>>
      tpu.wait_dma2 semaphore(%run_scoped3A : memref<!tpu.dma_semaphore, #tpu.memory_space<semaphore_mem>>) src(%dma_wait3A_35 : memref<80x128xi32, #tpu.memory_space<hbm>>) dst(%arg6 : memref<80x128xi32, #tpu.memory_space<vmem>>)
      tpu.yield
    }) : () -> ()
    "tpu.region"() ({
      %run_scoped3A = tpu.sem_alloc : memref<!tpu.dma_semaphore, #tpu.memory_space<semaphore_mem>>
      tpu.enqueue_dma source(%arg3 : memref<128x128xf32, #tpu.memory_space<hbm>>) target(%arg7 : memref<128x128xf32, #tpu.memory_space<vmem>>) target_semaphore(%run_scoped3A : memref<!tpu.dma_semaphore, #tpu.memory_space<semaphore_mem>>)
      tpu.wait_dma2 semaphore(%run_scoped3A : memref<!tpu.dma_semaphore, #tpu.memory_space<semaphore_mem>>) src(%arg3 : memref<128x128xf32, #tpu.memory_space<hbm>>) dst(%arg7 : memref<128x128xf32, #tpu.memory_space<vmem>>)
      tpu.yield
    }) : () -> ()
    %barrier3A = arith.constant 0 : index
    tpu.barrier barrier_id(%barrier3A)
    %scan3A = arith.constant 0 : i32
    %scan3A_7 = arith.constant 0 : i32
    %scan3A_8 = arith.constant 80 : i32
    %scan3A_9 = arith.addi %scan3A_7, %scan3A_8 : i32
    %scan3A_10 = arith.constant 1 : i32
    scf.for %scan3A_22 = %scan3A_7 to %scan3A_9 step %scan3A_10  : i32 {
      "tpu.region"() ({
        %run_scoped3A = tpu.sem_alloc : memref<!tpu.dma_semaphore, #tpu.memory_space<semaphore_mem>>
        %dma_start3A = arith.constant 0 : i32
        %dma_start3A_23 = tpu.memref_slice %arg6[%scan3A_22, %dma_start3A] : memref<80x128xi32, #tpu.memory_space<vmem>> -> memref<1x128xi32, #tpu.memory_space<vmem>>
        %dma_start3A_24 = tpu.memref_squeeze %dma_start3A_23 : memref<1x128xi32, #tpu.memory_space<vmem>> -> memref<128xi32, #tpu.memory_space<vmem>>
        %dma_start3A_25 = arith.constant 0 : i32
        %dma_start3A_26 = arith.constant 0 : i32
        %dma_start3A_27 = tpu.memref_slice %arg8[%dma_start3A_25, %dma_start3A_26] : memref<10128x128xf32, #tpu.memory_space<vmem_shared>> -> memref<10128x128xf32, #tpu.memory_space<vmem_shared>>
        tpu.enqueue_indirect_dma source(%arg7 : memref<128x128xf32, #tpu.memory_space<vmem>>) target(%dma_start3A_27 : memref<10128x128xf32, #tpu.memory_space<vmem_shared>>) offsets(%dma_start3A_24 : memref<128xi32, #tpu.memory_space<vmem>>) semaphore(%run_scoped3A : memref<!tpu.dma_semaphore, #tpu.memory_space<semaphore_mem>>) {add = true}
        %dma_wait3A = arith.constant 0 : i32
        %dma_wait3A_28 = tpu.memref_slice %arg6[%scan3A_22, %dma_wait3A] : memref<80x128xi32, #tpu.memory_space<vmem>> -> memref<1x128xi32, #tpu.memory_space<vmem>>
        %dma_wait3A_29 = tpu.memref_squeeze %dma_wait3A_28 : memref<1x128xi32, #tpu.memory_space<vmem>> -> memref<128xi32, #tpu.memory_space<vmem>>
        %dma_wait3A_30 = arith.constant 0 : i32
        %dma_wait3A_31 = arith.constant 0 : i32
        %dma_wait3A_32 = tpu.memref_slice %arg8[%dma_wait3A_30, %dma_wait3A_31] : memref<10128x128xf32, #tpu.memory_space<vmem_shared>> -> memref<10128x128xf32, #tpu.memory_space<vmem_shared>>
        tpu.wait_indirect_dma semaphore(%run_scoped3A : memref<!tpu.dma_semaphore, #tpu.memory_space<semaphore_mem>>) src(%arg7 : memref<128x128xf32, #tpu.memory_space<vmem>>) dst(%dma_wait3A_32 : memref<10128x128xf32, #tpu.memory_space<vmem_shared>>)
        tpu.yield
      }) : () -> ()
    }
    %scan3A_11 = arith.constant 80 : i32
    %barrier3A_12 = arith.constant 0 : index
    tpu.barrier barrier_id(%barrier3A_12)
    %mul3A_13 = arith.constant 624 : i32
    %mul3A_14 = arith.muli %arg1, %mul3A_13 : i32
    %mul3A_15 = arith.constant 624 : i32
    %mul3A_16 = arith.muli %arg1, %mul3A_15 : i32
    "tpu.region"() ({
      %run_scoped3A = tpu.sem_alloc : memref<!tpu.dma_semaphore, #tpu.memory_space<semaphore_mem>>
      %dma_start3A = arith.constant 0 : i32
      %dma_start3A_22 = tpu.memref_slice %arg5[%arg0, %mul3A_16, %dma_start3A] : memref<2x10000x128xf32, #tpu.memory_space<hbm>> -> memref<1x624x128xf32, #tpu.memory_space<hbm>>
      %dma_start3A_23 = tpu.memref_squeeze %dma_start3A_22 : memref<1x624x128xf32, #tpu.memory_space<hbm>> -> memref<624x128xf32, #tpu.memory_space<hbm>>
      %dma_start3A_24 = arith.constant 0 : i32
      %dma_start3A_25 = tpu.memref_slice %arg8[%mul3A_14, %dma_start3A_24] : memref<10128x128xf32, #tpu.memory_space<vmem_shared>> -> memref<624x128xf32, #tpu.memory_space<vmem_shared>>
      tpu.enqueue_dma source(%dma_start3A_25 : memref<624x128xf32, #tpu.memory_space<vmem_shared>>) target(%dma_start3A_23 : memref<624x128xf32, #tpu.memory_space<hbm>>) target_semaphore(%run_scoped3A : memref<!tpu.dma_semaphore, #tpu.memory_space<semaphore_mem>>)
      %dma_wait3A = arith.constant 0 : i32
      %dma_wait3A_26 = tpu.memref_slice %arg5[%arg0, %mul3A_16, %dma_wait3A] : memref<2x10000x128xf32, #tpu.memory_space<hbm>> -> memref<1x624x128xf32, #tpu.memory_space<hbm>>
      %dma_wait3A_27 = tpu.memref_squeeze %dma_wait3A_26 : memref<1x624x128xf32, #tpu.memory_space<hbm>> -> memref<624x128xf32, #tpu.memory_space<hbm>>
      %dma_wait3A_28 = arith.constant 0 : i32
      %dma_wait3A_29 = tpu.memref_slice %arg8[%mul3A_14, %dma_wait3A_28] : memref<10128x128xf32, #tpu.memory_space<vmem_shared>> -> memref<624x128xf32, #tpu.memory_space<vmem_shared>>
      tpu.wait_dma2 semaphore(%run_scoped3A : memref<!tpu.dma_semaphore, #tpu.memory_space<semaphore_mem>>) src(%dma_wait3A_29 : memref<624x128xf32, #tpu.memory_space<vmem_shared>>) dst(%dma_wait3A_27 : memref<624x128xf32, #tpu.memory_space<hbm>>)
      tpu.yield
    }) : () -> ()
    %eq3A_17 = arith.constant 0 : i32
    %eq3A_18 = arith.cmpi eq, %arg1, %eq3A_17 : i32
    %convert_element_type3A_19 = arith.extui %eq3A_18 : i1 to i32
    %cond3A_20 = arith.constant 0 : i32
    %cond3A_21 = arith.cmpi ne, %convert_element_type3A_19, %cond3A_20 : i32
    scf.if %cond3A_21 {
      "tpu.region"() ({
        %run_scoped3A = tpu.sem_alloc : memref<!tpu.dma_semaphore, #tpu.memory_space<semaphore_mem>>
        %dma_start3A = arith.constant 9984 : i32
        %dma_start3A_22 = arith.constant 0 : i32
        %dma_start3A_23 = tpu.memref_slice %arg5[%arg0, %dma_start3A, %dma_start3A_22] : memref<2x10000x128xf32, #tpu.memory_space<hbm>> -> memref<1x16x128xf32, #tpu.memory_space<hbm>>
        %dma_start3A_24 = tpu.memref_squeeze %dma_start3A_23 : memref<1x16x128xf32, #tpu.memory_space<hbm>> -> memref<16x128xf32, #tpu.memory_space<hbm>>
        %dma_start3A_25 = arith.constant 9984 : i32
        %dma_start3A_26 = arith.constant 0 : i32
        %dma_start3A_27 = tpu.memref_slice %arg8[%dma_start3A_25, %dma_start3A_26] : memref<10128x128xf32, #tpu.memory_space<vmem_shared>> -> memref<16x128xf32, #tpu.memory_space<vmem_shared>>
        tpu.enqueue_dma source(%dma_start3A_27 : memref<16x128xf32, #tpu.memory_space<vmem_shared>>) target(%dma_start3A_24 : memref<16x128xf32, #tpu.memory_space<hbm>>) target_semaphore(%run_scoped3A : memref<!tpu.dma_semaphore, #tpu.memory_space<semaphore_mem>>)
        %dma_wait3A = arith.constant 9984 : i32
        %dma_wait3A_28 = arith.constant 0 : i32
        %dma_wait3A_29 = tpu.memref_slice %arg5[%arg0, %dma_wait3A, %dma_wait3A_28] : memref<2x10000x128xf32, #tpu.memory_space<hbm>> -> memref<1x16x128xf32, #tpu.memory_space<hbm>>
        %dma_wait3A_30 = tpu.memref_squeeze %dma_wait3A_29 : memref<1x16x128xf32, #tpu.memory_space<hbm>> -> memref<16x128xf32, #tpu.memory_space<hbm>>
        %dma_wait3A_31 = arith.constant 9984 : i32
        %dma_wait3A_32 = arith.constant 0 : i32
        %dma_wait3A_33 = tpu.memref_slice %arg8[%dma_wait3A_31, %dma_wait3A_32] : memref<10128x128xf32, #tpu.memory_space<vmem_shared>> -> memref<16x128xf32, #tpu.memory_space<vmem_shared>>
        tpu.wait_dma2 semaphore(%run_scoped3A : memref<!tpu.dma_semaphore, #tpu.memory_space<semaphore_mem>>) src(%dma_wait3A_33 : memref<16x128xf32, #tpu.memory_space<vmem_shared>>) dst(%dma_wait3A_30 : memref<16x128xf32, #tpu.memory_space<hbm>>)
        tpu.yield
      }) : () -> ()
    } else {
    }
    return
  }
}

#map = affine_map<(d0, d1) -> (0)>
#map1 = affine_map<(d0, d1) -> (0, 0)>
module attributes {stable_mosaic.version = 14 : i64} {
  func.func @k(%arg0: i32, %arg1: i32, %arg2: memref<102400xi32, #tpu.memory_space<hbm>>, %arg3: memref<102400xi32, #tpu.memory_space<hbm>>, %arg4: memref<10000x128xf32, #tpu.memory_space<hbm>>, %arg5: memref<10000x128xf32, #tpu.memory_space<hbm>>, %arg6: memref<100000x128xf32, #tpu.memory_space<hbm>>, %arg7: memref<3456xi32, #tpu.memory_space<vmem>>, %arg8: memref<3456xi32, #tpu.memory_space<vmem>>, %arg9: memref<128x128xf32, #tpu.memory_space<vmem>>, %arg10: memref<128x128xf32, #tpu.memory_space<vmem>>, %arg11: memref<128x128xf32, #tpu.memory_space<vmem>>, %arg12: memref<128x128xf32, #tpu.memory_space<vmem>>, %arg13: memref<128x128xf32, #tpu.memory_space<vmem>>, %arg14: memref<128x128xf32, #tpu.memory_space<vmem>>, %arg15: memref<!tpu.dma_semaphore, #tpu.memory_space<semaphore_mem>>, %arg16: memref<!tpu.dma_semaphore, #tpu.memory_space<semaphore_mem>>, %arg17: memref<!tpu.dma_semaphore, #tpu.memory_space<semaphore_mem>>, %arg18: memref<!tpu.dma_semaphore, #tpu.memory_space<semaphore_mem>>, %arg19: memref<!tpu.dma_semaphore, #tpu.memory_space<semaphore_mem>>, %arg20: memref<!tpu.dma_semaphore, #tpu.memory_space<semaphore_mem>>, %arg21: memref<!tpu.dma_semaphore, #tpu.memory_space<semaphore_mem>>, %arg22: memref<!tpu.dma_semaphore, #tpu.memory_space<semaphore_mem>>, %arg23: memref<!tpu.dma_semaphore, #tpu.memory_space<semaphore_mem>>) attributes {dimension_semantics = [#tpu.dimension_semantics<core_parallel>, #tpu.dimension_semantics<subcore_parallel>], iteration_bounds = array<i64: 2, 16>, scalar_prefetch = 0 : i64, scratch_operands = 17 : i64, tpu.core_type = #tpu.core_type<sc_vector_subcore>, window_params = [{transform_indices = #map}, {transform_indices = #map}, {transform_indices = #map1}, {transform_indices = #map1}, {transform_indices = #map1}]} {
    %mul3A = arith.constant 2 : i32
    %mul3A_0 = arith.muli %arg1, %mul3A : i32
    %add3A = arith.addi %mul3A_0, %arg0 : i32
    %mul3A_1 = arith.constant 24 : i32
    %mul3A_2 = arith.muli %add3A, %mul3A_1 : i32
    %min3A = arith.constant 14 : i32
    %min3A_3 = arith.minsi %add3A, %min3A : i32
    %add3A_4 = arith.addi %mul3A_2, %min3A_3 : i32
    %mul3A_5 = arith.constant 128 : i32
    %mul3A_6 = arith.muli %add3A_4, %mul3A_5 : i32
    "tpu.region"() ({
      %run_scoped3A = tpu.sem_alloc : memref<!tpu.dma_semaphore, #tpu.memory_space<semaphore_mem>>
      %dma_start3A = tpu.memref_slice %arg2[%mul3A_6] : memref<102400xi32, #tpu.memory_space<hbm>> -> memref<3456xi32, #tpu.memory_space<hbm>>
      %dma_start3A_43 = tpu.memref_slice %arg2[%mul3A_6] : memref<102400xi32, #tpu.memory_space<hbm>> -> memref<3456xi32, #tpu.memory_space<hbm>>
      tpu.enqueue_dma source(%dma_start3A_43 : memref<3456xi32, #tpu.memory_space<hbm>>) target(%arg7 : memref<3456xi32, #tpu.memory_space<vmem>>) target_semaphore(%run_scoped3A : memref<!tpu.dma_semaphore, #tpu.memory_space<semaphore_mem>>)
      %dma_wait3A_44 = tpu.memref_slice %arg2[%mul3A_6] : memref<102400xi32, #tpu.memory_space<hbm>> -> memref<3456xi32, #tpu.memory_space<hbm>>
      %dma_wait3A_45 = tpu.memref_slice %arg2[%mul3A_6] : memref<102400xi32, #tpu.memory_space<hbm>> -> memref<3456xi32, #tpu.memory_space<hbm>>
      tpu.wait_dma2 semaphore(%run_scoped3A : memref<!tpu.dma_semaphore, #tpu.memory_space<semaphore_mem>>) src(%dma_wait3A_45 : memref<3456xi32, #tpu.memory_space<hbm>>) dst(%arg7 : memref<3456xi32, #tpu.memory_space<vmem>>)
      tpu.yield
    }) : () -> ()
    %mul3A_7 = arith.constant 128 : i32
    %mul3A_8 = arith.muli %add3A_4, %mul3A_7 : i32
    "tpu.region"() ({
      %run_scoped3A = tpu.sem_alloc : memref<!tpu.dma_semaphore, #tpu.memory_space<semaphore_mem>>
      %dma_start3A = tpu.memref_slice %arg3[%mul3A_8] : memref<102400xi32, #tpu.memory_space<hbm>> -> memref<3456xi32, #tpu.memory_space<hbm>>
      %dma_start3A_43 = tpu.memref_slice %arg3[%mul3A_8] : memref<102400xi32, #tpu.memory_space<hbm>> -> memref<3456xi32, #tpu.memory_space<hbm>>
      tpu.enqueue_dma source(%dma_start3A_43 : memref<3456xi32, #tpu.memory_space<hbm>>) target(%arg8 : memref<3456xi32, #tpu.memory_space<vmem>>) target_semaphore(%run_scoped3A : memref<!tpu.dma_semaphore, #tpu.memory_space<semaphore_mem>>)
      %dma_wait3A_44 = tpu.memref_slice %arg3[%mul3A_8] : memref<102400xi32, #tpu.memory_space<hbm>> -> memref<3456xi32, #tpu.memory_space<hbm>>
      %dma_wait3A_45 = tpu.memref_slice %arg3[%mul3A_8] : memref<102400xi32, #tpu.memory_space<hbm>> -> memref<3456xi32, #tpu.memory_space<hbm>>
      tpu.wait_dma2 semaphore(%run_scoped3A : memref<!tpu.dma_semaphore, #tpu.memory_space<semaphore_mem>>) src(%dma_wait3A_45 : memref<3456xi32, #tpu.memory_space<hbm>>) dst(%arg8 : memref<3456xi32, #tpu.memory_space<vmem>>)
      tpu.yield
    }) : () -> ()
    %scan3A = arith.constant 0 : i32
    %scan3A_9 = arith.constant 0 : i32
    %scan3A_10 = arith.constant 9 : i32
    %scan3A_11 = arith.addi %scan3A_9, %scan3A_10 : i32
    %scan3A_12 = arith.constant 1 : i32
    scf.for %scan3A_43 = %scan3A_9 to %scan3A_11 step %scan3A_12  : i32 {
      %mul3A_44 = arith.constant 3 : i32
      %mul3A_45 = arith.muli %scan3A_43, %mul3A_44 : i32
      %add3A_46 = arith.constant 0 : i32
      %add3A_47 = arith.addi %mul3A_45, %add3A_46 : i32
      %add3A_48 = arith.addi %add3A_4, %add3A_47 : i32
      %mul3A_49 = arith.constant 128 : i32
      %mul3A_50 = arith.muli %add3A_48, %mul3A_49 : i32
      %min3A_51 = arith.constant 99872 : i32
      %min3A_52 = arith.minsi %mul3A_50, %min3A_51 : i32
      %mul3A_53 = arith.constant 128 : i32
      %mul3A_54 = arith.muli %add3A_4, %mul3A_53 : i32
      %sub3A = arith.subi %min3A_52, %mul3A_54 : i32
      %gt3A = arith.constant 0 : i32
      %gt3A_55 = arith.cmpi sgt, %scan3A_43, %gt3A : i32
      %convert_element_type3A = arith.extui %gt3A_55 : i1 to i32
      %cond3A = arith.constant 0 : i32
      %cond3A_56 = arith.cmpi ne, %convert_element_type3A, %cond3A : i32
      scf.if %cond3A_56 {
        %add3A_195 = arith.addi %add3A_4, %add3A_47 : i32
        %mul3A_196 = arith.constant 128 : i32
        %mul3A_197 = arith.muli %add3A_195, %mul3A_196 : i32
        %min3A_198 = arith.constant 99872 : i32
        %min3A_199 = arith.minsi %mul3A_197, %min3A_198 : i32
        %dma_wait3A_200 = arith.constant 0 : i32
        %dma_wait3A_201 = tpu.memref_slice %arg6[%min3A_199, %dma_wait3A_200] : memref<100000x128xf32, #tpu.memory_space<hbm>> -> memref<128x128xf32, #tpu.memory_space<hbm>>
        %dma_wait3A_202 = arith.constant 0 : i32
        %dma_wait3A_203 = tpu.memref_slice %arg6[%min3A_199, %dma_wait3A_202] : memref<100000x128xf32, #tpu.memory_space<hbm>> -> memref<128x128xf32, #tpu.memory_space<hbm>>
        tpu.wait_dma2 semaphore(%arg21 : memref<!tpu.dma_semaphore, #tpu.memory_space<semaphore_mem>>) src(%arg9 : memref<128x128xf32, #tpu.memory_space<vmem>>) dst(%dma_wait3A_203 : memref<128x128xf32, #tpu.memory_space<hbm>>)
      } else {
      }
      %dma_start3A = tpu.memref_slice %arg7[%sub3A] : memref<3456xi32, #tpu.memory_space<vmem>> -> memref<128xi32, #tpu.memory_space<vmem>>
      %dma_start3A_57 = arith.constant 0 : i32
      %dma_start3A_58 = arith.constant 0 : i32
      %dma_start3A_59 = tpu.memref_slice %arg4[%dma_start3A_57, %dma_start3A_58] : memref<10000x128xf32, #tpu.memory_space<hbm>> -> memref<10000x128xf32, #tpu.memory_space<hbm>>
      tpu.enqueue_indirect_dma source(%dma_start3A_59 : memref<10000x128xf32, #tpu.memory_space<hbm>>) target(%arg9 : memref<128x128xf32, #tpu.memory_space<vmem>>) offsets(%dma_start3A : memref<128xi32, #tpu.memory_space<vmem>>) semaphore(%arg15 : memref<!tpu.dma_semaphore, #tpu.memory_space<semaphore_mem>>)
      %dma_start3A_60 = tpu.memref_slice %arg8[%sub3A] : memref<3456xi32, #tpu.memory_space<vmem>> -> memref<128xi32, #tpu.memory_space<vmem>>
      %dma_start3A_61 = arith.constant 0 : i32
      %dma_start3A_62 = arith.constant 0 : i32
      %dma_start3A_63 = tpu.memref_slice %arg5[%dma_start3A_61, %dma_start3A_62] : memref<10000x128xf32, #tpu.memory_space<hbm>> -> memref<10000x128xf32, #tpu.memory_space<hbm>>
      tpu.enqueue_indirect_dma source(%dma_start3A_63 : memref<10000x128xf32, #tpu.memory_space<hbm>>) target(%arg12 : memref<128x128xf32, #tpu.memory_space<vmem>>) offsets(%dma_start3A_60 : memref<128xi32, #tpu.memory_space<vmem>>) semaphore(%arg18 : memref<!tpu.dma_semaphore, #tpu.memory_space<semaphore_mem>>)
      %mul3A_64 = arith.constant 3 : i32
      %mul3A_65 = arith.muli %scan3A_43, %mul3A_64 : i32
      %add3A_66 = arith.constant 1 : i32
      %add3A_67 = arith.addi %mul3A_65, %add3A_66 : i32
      %add3A_68 = arith.addi %add3A_4, %add3A_67 : i32
      %mul3A_69 = arith.constant 128 : i32
      %mul3A_70 = arith.muli %add3A_68, %mul3A_69 : i32
      %min3A_71 = arith.constant 99872 : i32
      %min3A_72 = arith.minsi %mul3A_70, %min3A_71 : i32
      %mul3A_73 = arith.constant 128 : i32
      %mul3A_74 = arith.muli %add3A_4, %mul3A_73 : i32
      %sub3A_75 = arith.subi %min3A_72, %mul3A_74 : i32
      %gt3A_76 = arith.constant 0 : i32
      %gt3A_77 = arith.cmpi sgt, %scan3A_43, %gt3A_76 : i32
      %convert_element_type3A_78 = arith.extui %gt3A_77 : i1 to i32
      %cond3A_79 = arith.constant 0 : i32
      %cond3A_80 = arith.cmpi ne, %convert_element_type3A_78, %cond3A_79 : i32
      scf.if %cond3A_80 {
        %add3A_195 = arith.addi %add3A_4, %add3A_67 : i32
        %mul3A_196 = arith.constant 128 : i32
        %mul3A_197 = arith.muli %add3A_195, %mul3A_196 : i32
        %min3A_198 = arith.constant 99872 : i32
        %min3A_199 = arith.minsi %mul3A_197, %min3A_198 : i32
        %dma_wait3A_200 = arith.constant 0 : i32
        %dma_wait3A_201 = tpu.memref_slice %arg6[%min3A_199, %dma_wait3A_200] : memref<100000x128xf32, #tpu.memory_space<hbm>> -> memref<128x128xf32, #tpu.memory_space<hbm>>
        %dma_wait3A_202 = arith.constant 0 : i32
        %dma_wait3A_203 = tpu.memref_slice %arg6[%min3A_199, %dma_wait3A_202] : memref<100000x128xf32, #tpu.memory_space<hbm>> -> memref<128x128xf32, #tpu.memory_space<hbm>>
        tpu.wait_dma2 semaphore(%arg22 : memref<!tpu.dma_semaphore, #tpu.memory_space<semaphore_mem>>) src(%arg10 : memref<128x128xf32, #tpu.memory_space<vmem>>) dst(%dma_wait3A_203 : memref<128x128xf32, #tpu.memory_space<hbm>>)
      } else {
      }
      %dma_start3A_81 = tpu.memref_slice %arg7[%sub3A_75] : memref<3456xi32, #tpu.memory_space<vmem>> -> memref<128xi32, #tpu.memory_space<vmem>>
      %dma_start3A_82 = arith.constant 0 : i32
      %dma_start3A_83 = arith.constant 0 : i32
      %dma_start3A_84 = tpu.memref_slice %arg4[%dma_start3A_82, %dma_start3A_83] : memref<10000x128xf32, #tpu.memory_space<hbm>> -> memref<10000x128xf32, #tpu.memory_space<hbm>>
      tpu.enqueue_indirect_dma source(%dma_start3A_84 : memref<10000x128xf32, #tpu.memory_space<hbm>>) target(%arg10 : memref<128x128xf32, #tpu.memory_space<vmem>>) offsets(%dma_start3A_81 : memref<128xi32, #tpu.memory_space<vmem>>) semaphore(%arg16 : memref<!tpu.dma_semaphore, #tpu.memory_space<semaphore_mem>>)
      %dma_start3A_85 = tpu.memref_slice %arg8[%sub3A_75] : memref<3456xi32, #tpu.memory_space<vmem>> -> memref<128xi32, #tpu.memory_space<vmem>>
      %dma_start3A_86 = arith.constant 0 : i32
      %dma_start3A_87 = arith.constant 0 : i32
      %dma_start3A_88 = tpu.memref_slice %arg5[%dma_start3A_86, %dma_start3A_87] : memref<10000x128xf32, #tpu.memory_space<hbm>> -> memref<10000x128xf32, #tpu.memory_space<hbm>>
      tpu.enqueue_indirect_dma source(%dma_start3A_88 : memref<10000x128xf32, #tpu.memory_space<hbm>>) target(%arg13 : memref<128x128xf32, #tpu.memory_space<vmem>>) offsets(%dma_start3A_85 : memref<128xi32, #tpu.memory_space<vmem>>) semaphore(%arg19 : memref<!tpu.dma_semaphore, #tpu.memory_space<semaphore_mem>>)
      %mul3A_89 = arith.constant 3 : i32
      %mul3A_90 = arith.muli %scan3A_43, %mul3A_89 : i32
      %add3A_91 = arith.constant 2 : i32
      %add3A_92 = arith.addi %mul3A_90, %add3A_91 : i32
      %add3A_93 = arith.addi %add3A_4, %add3A_92 : i32
      %mul3A_94 = arith.constant 128 : i32
      %mul3A_95 = arith.muli %add3A_93, %mul3A_94 : i32
      %min3A_96 = arith.constant 99872 : i32
      %min3A_97 = arith.minsi %mul3A_95, %min3A_96 : i32
      %mul3A_98 = arith.constant 128 : i32
      %mul3A_99 = arith.muli %add3A_4, %mul3A_98 : i32
      %sub3A_100 = arith.subi %min3A_97, %mul3A_99 : i32
      %gt3A_101 = arith.constant 0 : i32
      %gt3A_102 = arith.cmpi sgt, %scan3A_43, %gt3A_101 : i32
      %convert_element_type3A_103 = arith.extui %gt3A_102 : i1 to i32
      %cond3A_104 = arith.constant 0 : i32
      %cond3A_105 = arith.cmpi ne, %convert_element_type3A_103, %cond3A_104 : i32
      scf.if %cond3A_105 {
        %add3A_195 = arith.addi %add3A_4, %add3A_92 : i32
        %mul3A_196 = arith.constant 128 : i32
        %mul3A_197 = arith.muli %add3A_195, %mul3A_196 : i32
        %min3A_198 = arith.constant 99872 : i32
        %min3A_199 = arith.minsi %mul3A_197, %min3A_198 : i32
        %dma_wait3A_200 = arith.constant 0 : i32
        %dma_wait3A_201 = tpu.memref_slice %arg6[%min3A_199, %dma_wait3A_200] : memref<100000x128xf32, #tpu.memory_space<hbm>> -> memref<128x128xf32, #tpu.memory_space<hbm>>
        %dma_wait3A_202 = arith.constant 0 : i32
        %dma_wait3A_203 = tpu.memref_slice %arg6[%min3A_199, %dma_wait3A_202] : memref<100000x128xf32, #tpu.memory_space<hbm>> -> memref<128x128xf32, #tpu.memory_space<hbm>>
        tpu.wait_dma2 semaphore(%arg23 : memref<!tpu.dma_semaphore, #tpu.memory_space<semaphore_mem>>) src(%arg11 : memref<128x128xf32, #tpu.memory_space<vmem>>) dst(%dma_wait3A_203 : memref<128x128xf32, #tpu.memory_space<hbm>>)
      } else {
      }
      %dma_start3A_106 = tpu.memref_slice %arg7[%sub3A_100] : memref<3456xi32, #tpu.memory_space<vmem>> -> memref<128xi32, #tpu.memory_space<vmem>>
      %dma_start3A_107 = arith.constant 0 : i32
      %dma_start3A_108 = arith.constant 0 : i32
      %dma_start3A_109 = tpu.memref_slice %arg4[%dma_start3A_107, %dma_start3A_108] : memref<10000x128xf32, #tpu.memory_space<hbm>> -> memref<10000x128xf32, #tpu.memory_space<hbm>>
      tpu.enqueue_indirect_dma source(%dma_start3A_109 : memref<10000x128xf32, #tpu.memory_space<hbm>>) target(%arg11 : memref<128x128xf32, #tpu.memory_space<vmem>>) offsets(%dma_start3A_106 : memref<128xi32, #tpu.memory_space<vmem>>) semaphore(%arg17 : memref<!tpu.dma_semaphore, #tpu.memory_space<semaphore_mem>>)
      %dma_start3A_110 = tpu.memref_slice %arg8[%sub3A_100] : memref<3456xi32, #tpu.memory_space<vmem>> -> memref<128xi32, #tpu.memory_space<vmem>>
      %dma_start3A_111 = arith.constant 0 : i32
      %dma_start3A_112 = arith.constant 0 : i32
      %dma_start3A_113 = tpu.memref_slice %arg5[%dma_start3A_111, %dma_start3A_112] : memref<10000x128xf32, #tpu.memory_space<hbm>> -> memref<10000x128xf32, #tpu.memory_space<hbm>>
      tpu.enqueue_indirect_dma source(%dma_start3A_113 : memref<10000x128xf32, #tpu.memory_space<hbm>>) target(%arg14 : memref<128x128xf32, #tpu.memory_space<vmem>>) offsets(%dma_start3A_110 : memref<128xi32, #tpu.memory_space<vmem>>) semaphore(%arg20 : memref<!tpu.dma_semaphore, #tpu.memory_space<semaphore_mem>>)
      %mul3A_114 = arith.constant 3 : i32
      %mul3A_115 = arith.muli %scan3A_43, %mul3A_114 : i32
      %add3A_116 = arith.constant 0 : i32
      %add3A_117 = arith.addi %mul3A_115, %add3A_116 : i32
      %dma_wait3A_118 = tpu.memref_slice %arg7[%sub3A] : memref<3456xi32, #tpu.memory_space<vmem>> -> memref<128xi32, #tpu.memory_space<vmem>>
      %dma_wait3A_119 = arith.constant 0 : i32
      %dma_wait3A_120 = arith.constant 0 : i32
      %dma_wait3A_121 = tpu.memref_slice %arg4[%dma_wait3A_119, %dma_wait3A_120] : memref<10000x128xf32, #tpu.memory_space<hbm>> -> memref<10000x128xf32, #tpu.memory_space<hbm>>
      tpu.wait_indirect_dma semaphore(%arg15 : memref<!tpu.dma_semaphore, #tpu.memory_space<semaphore_mem>>) src(%dma_wait3A_121 : memref<10000x128xf32, #tpu.memory_space<hbm>>) dst(%arg9 : memref<128x128xf32, #tpu.memory_space<vmem>>)
      %dma_wait3A_122 = tpu.memref_slice %arg8[%sub3A] : memref<3456xi32, #tpu.memory_space<vmem>> -> memref<128xi32, #tpu.memory_space<vmem>>
      %dma_wait3A_123 = arith.constant 0 : i32
      %dma_wait3A_124 = arith.constant 0 : i32
      %dma_wait3A_125 = tpu.memref_slice %arg5[%dma_wait3A_123, %dma_wait3A_124] : memref<10000x128xf32, #tpu.memory_space<hbm>> -> memref<10000x128xf32, #tpu.memory_space<hbm>>
      tpu.wait_indirect_dma semaphore(%arg18 : memref<!tpu.dma_semaphore, #tpu.memory_space<semaphore_mem>>) src(%dma_wait3A_125 : memref<10000x128xf32, #tpu.memory_space<hbm>>) dst(%arg12 : memref<128x128xf32, #tpu.memory_space<vmem>>)
      %scan3A_126 = arith.constant 0 : i32
      %scan3A_127 = arith.constant 0 : i32
      %scan3A_128 = arith.constant 128 : i32
      %scan3A_129 = arith.addi %scan3A_127, %scan3A_128 : i32
      %scan3A_130 = arith.constant 1 : i32
      scf.for %scan3A_195 = %scan3A_127 to %scan3A_129 step %scan3A_130  : i32 {
        %get3A = arith.index_cast %scan3A_195 : i32 to index
        %get3A_196 = arith.constant 0 : index
        %get3A_197 = tpu.vector_load %arg12[%get3A, %get3A_196] {strides = array<i32>} : memref<128x128xf32, #tpu.memory_space<vmem>>, vector<1x16xf32>,
        %get3A_198 = vector.shape_cast %get3A_197 : vector<1x16xf32> to vector<16xf32>
        %swap3A = arith.index_cast %scan3A_195 : i32 to index
        %swap3A_199 = arith.constant 0 : index
        %swap3A_200 = tpu.vector_load %arg9[%swap3A, %swap3A_199] {strides = array<i32>} : memref<128x128xf32, #tpu.memory_space<vmem>>, vector<1x16xf32>,
        %swap3A_201 = vector.shape_cast %swap3A_200 : vector<1x16xf32> to vector<16xf32>
        %swap3A_202 = vector.shape_cast %get3A_198 : vector<16xf32> to vector<1x16xf32>
        tpu.vector_store %arg9[%swap3A, %swap3A_199], %swap3A_202 {add = true, strides = array<i32>} : memref<128x128xf32, #tpu.memory_space<vmem>>, vector<1x16xf32>,
        %get3A_203 = arith.index_cast %scan3A_195 : i32 to index
        %get3A_204 = arith.constant 16 : index
        %get3A_205 = tpu.vector_load %arg12[%get3A_203, %get3A_204] {strides = array<i32>} : memref<128x128xf32, #tpu.memory_space<vmem>>, vector<1x16xf32>,
        %get3A_206 = vector.shape_cast %get3A_205 : vector<1x16xf32> to vector<16xf32>
        %swap3A_207 = arith.index_cast %scan3A_195 : i32 to index
        %swap3A_208 = arith.constant 16 : index
        %swap3A_209 = tpu.vector_load %arg9[%swap3A_207, %swap3A_208] {strides = array<i32>} : memref<128x128xf32, #tpu.memory_space<vmem>>, vector<1x16xf32>,
        %swap3A_210 = vector.shape_cast %swap3A_209 : vector<1x16xf32> to vector<16xf32>
        %swap3A_211 = vector.shape_cast %get3A_206 : vector<16xf32> to vector<1x16xf32>
        tpu.vector_store %arg9[%swap3A_207, %swap3A_208], %swap3A_211 {add = true, strides = array<i32>} : memref<128x128xf32, #tpu.memory_space<vmem>>, vector<1x16xf32>,
        %get3A_212 = arith.index_cast %scan3A_195 : i32 to index
        %get3A_213 = arith.constant 32 : index
        %get3A_214 = tpu.vector_load %arg12[%get3A_212, %get3A_213] {strides = array<i32>} : memref<128x128xf32, #tpu.memory_space<vmem>>, vector<1x16xf32>,
        %get3A_215 = vector.shape_cast %get3A_214 : vector<1x16xf32> to vector<16xf32>
        %swap3A_216 = arith.index_cast %scan3A_195 : i32 to index
        %swap3A_217 = arith.constant 32 : index
        %swap3A_218 = tpu.vector_load %arg9[%swap3A_216, %swap3A_217] {strides = array<i32>} : memref<128x128xf32, #tpu.memory_space<vmem>>, vector<1x16xf32>,
        %swap3A_219 = vector.shape_cast %swap3A_218 : vector<1x16xf32> to vector<16xf32>
        %swap3A_220 = vector.shape_cast %get3A_215 : vector<16xf32> to vector<1x16xf32>
        tpu.vector_store %arg9[%swap3A_216, %swap3A_217], %swap3A_220 {add = true, strides = array<i32>} : memref<128x128xf32, #tpu.memory_space<vmem>>, vector<1x16xf32>,
        %get3A_221 = arith.index_cast %scan3A_195 : i32 to index
        %get3A_222 = arith.constant 48 : index
        %get3A_223 = tpu.vector_load %arg12[%get3A_221, %get3A_222] {strides = array<i32>} : memref<128x128xf32, #tpu.memory_space<vmem>>, vector<1x16xf32>,
        %get3A_224 = vector.shape_cast %get3A_223 : vector<1x16xf32> to vector<16xf32>
        %swap3A_225 = arith.index_cast %scan3A_195 : i32 to index
        %swap3A_226 = arith.constant 48 : index
        %swap3A_227 = tpu.vector_load %arg9[%swap3A_225, %swap3A_226] {strides = array<i32>} : memref<128x128xf32, #tpu.memory_space<vmem>>, vector<1x16xf32>,
        %swap3A_228 = vector.shape_cast %swap3A_227 : vector<1x16xf32> to vector<16xf32>
        %swap3A_229 = vector.shape_cast %get3A_224 : vector<16xf32> to vector<1x16xf32>
        tpu.vector_store %arg9[%swap3A_225, %swap3A_226], %swap3A_229 {add = true, strides = array<i32>} : memref<128x128xf32, #tpu.memory_space<vmem>>, vector<1x16xf32>,
        %get3A_230 = arith.index_cast %scan3A_195 : i32 to index
        %get3A_231 = arith.constant 64 : index
        %get3A_232 = tpu.vector_load %arg12[%get3A_230, %get3A_231] {strides = array<i32>} : memref<128x128xf32, #tpu.memory_space<vmem>>, vector<1x16xf32>,
        %get3A_233 = vector.shape_cast %get3A_232 : vector<1x16xf32> to vector<16xf32>
        %swap3A_234 = arith.index_cast %scan3A_195 : i32 to index
        %swap3A_235 = arith.constant 64 : index
        %swap3A_236 = tpu.vector_load %arg9[%swap3A_234, %swap3A_235] {strides = array<i32>} : memref<128x128xf32, #tpu.memory_space<vmem>>, vector<1x16xf32>,
        %swap3A_237 = vector.shape_cast %swap3A_236 : vector<1x16xf32> to vector<16xf32>
        %swap3A_238 = vector.shape_cast %get3A_233 : vector<16xf32> to vector<1x16xf32>
        tpu.vector_store %arg9[%swap3A_234, %swap3A_235], %swap3A_238 {add = true, strides = array<i32>} : memref<128x128xf32, #tpu.memory_space<vmem>>, vector<1x16xf32>,
        %get3A_239 = arith.index_cast %scan3A_195 : i32 to index
        %get3A_240 = arith.constant 80 : index
        %get3A_241 = tpu.vector_load %arg12[%get3A_239, %get3A_240] {strides = array<i32>} : memref<128x128xf32, #tpu.memory_space<vmem>>, vector<1x16xf32>,
        %get3A_242 = vector.shape_cast %get3A_241 : vector<1x16xf32> to vector<16xf32>
        %swap3A_243 = arith.index_cast %scan3A_195 : i32 to index
        %swap3A_244 = arith.constant 80 : index
        %swap3A_245 = tpu.vector_load %arg9[%swap3A_243, %swap3A_244] {strides = array<i32>} : memref<128x128xf32, #tpu.memory_space<vmem>>, vector<1x16xf32>,
        %swap3A_246 = vector.shape_cast %swap3A_245 : vector<1x16xf32> to vector<16xf32>
        %swap3A_247 = vector.shape_cast %get3A_242 : vector<16xf32> to vector<1x16xf32>
        tpu.vector_store %arg9[%swap3A_243, %swap3A_244], %swap3A_247 {add = true, strides = array<i32>} : memref<128x128xf32, #tpu.memory_space<vmem>>, vector<1x16xf32>,
        %get3A_248 = arith.index_cast %scan3A_195 : i32 to index
        %get3A_249 = arith.constant 96 : index
        %get3A_250 = tpu.vector_load %arg12[%get3A_248, %get3A_249] {strides = array<i32>} : memref<128x128xf32, #tpu.memory_space<vmem>>, vector<1x16xf32>,
        %get3A_251 = vector.shape_cast %get3A_250 : vector<1x16xf32> to vector<16xf32>
        %swap3A_252 = arith.index_cast %scan3A_195 : i32 to index
        %swap3A_253 = arith.constant 96 : index
        %swap3A_254 = tpu.vector_load %arg9[%swap3A_252, %swap3A_253] {strides = array<i32>} : memref<128x128xf32, #tpu.memory_space<vmem>>, vector<1x16xf32>,
        %swap3A_255 = vector.shape_cast %swap3A_254 : vector<1x16xf32> to vector<16xf32>
        %swap3A_256 = vector.shape_cast %get3A_251 : vector<16xf32> to vector<1x16xf32>
        tpu.vector_store %arg9[%swap3A_252, %swap3A_253], %swap3A_256 {add = true, strides = array<i32>} : memref<128x128xf32, #tpu.memory_space<vmem>>, vector<1x16xf32>,
        %get3A_257 = arith.index_cast %scan3A_195 : i32 to index
        %get3A_258 = arith.constant 112 : index
        %get3A_259 = tpu.vector_load %arg12[%get3A_257, %get3A_258] {strides = array<i32>} : memref<128x128xf32, #tpu.memory_space<vmem>>, vector<1x16xf32>,
        %get3A_260 = vector.shape_cast %get3A_259 : vector<1x16xf32> to vector<16xf32>
        %swap3A_261 = arith.index_cast %scan3A_195 : i32 to index
        %swap3A_262 = arith.constant 112 : index
        %swap3A_263 = tpu.vector_load %arg9[%swap3A_261, %swap3A_262] {strides = array<i32>} : memref<128x128xf32, #tpu.memory_space<vmem>>, vector<1x16xf32>,
        %swap3A_264 = vector.shape_cast %swap3A_263 : vector<1x16xf32> to vector<16xf32>
        %swap3A_265 = vector.shape_cast %get3A_260 : vector<16xf32> to vector<1x16xf32>
        tpu.vector_store %arg9[%swap3A_261, %swap3A_262], %swap3A_265 {add = true, strides = array<i32>} : memref<128x128xf32, #tpu.memory_space<vmem>>, vector<1x16xf32>,
      }
      %scan3A_131 = arith.constant 128 : i32
      %add3A_132 = arith.addi %add3A_4, %add3A_117 : i32
      %mul3A_133 = arith.constant 128 : i32
      %mul3A_134 = arith.muli %add3A_132, %mul3A_133 : i32
      %min3A_135 = arith.constant 99872 : i32
      %min3A_136 = arith.minsi %mul3A_134, %min3A_135 : i32
      %dma_start3A_137 = arith.constant 0 : i32
      %dma_start3A_138 = tpu.memref_slice %arg6[%min3A_136, %dma_start3A_137] : memref<100000x128xf32, #tpu.memory_space<hbm>> -> memref<128x128xf32, #tpu.memory_space<hbm>>
      %dma_start3A_139 = arith.constant 0 : i32
      %dma_start3A_140 = tpu.memref_slice %arg6[%min3A_136, %dma_start3A_139] : memref<100000x128xf32, #tpu.memory_space<hbm>> -> memref<128x128xf32, #tpu.memory_space<hbm>>
      tpu.enqueue_dma source(%arg9 : memref<128x128xf32, #tpu.memory_space<vmem>>) target(%dma_start3A_140 : memref<128x128xf32, #tpu.memory_space<hbm>>) target_semaphore(%arg21 : memref<!tpu.dma_semaphore, #tpu.memory_space<semaphore_mem>>)
      %mul3A_141 = arith.constant 3 : i32
      %mul3A_142 = arith.muli %scan3A_43, %mul3A_141 : i32
      %add3A_143 = arith.constant 1 : i32
      %add3A_144 = arith.addi %mul3A_142, %add3A_143 : i32
      %dma_wait3A_145 = tpu.memref_slice %arg7[%sub3A_75] : memref<3456xi32, #tpu.memory_space<vmem>> -> memref<128xi32, #tpu.memory_space<vmem>>
      %dma_wait3A_146 = arith.constant 0 : i32
      %dma_wait3A_147 = arith.constant 0 : i32
      %dma_wait3A_148 = tpu.memref_slice %arg4[%dma_wait3A_146, %dma_wait3A_147] : memref<10000x128xf32, #tpu.memory_space<hbm>> -> memref<10000x128xf32, #tpu.memory_space<hbm>>
      tpu.wait_indirect_dma semaphore(%arg16 : memref<!tpu.dma_semaphore, #tpu.memory_space<semaphore_mem>>) src(%dma_wait3A_148 : memref<10000x128xf32, #tpu.memory_space<hbm>>) dst(%arg10 : memref<128x128xf32, #tpu.memory_space<vmem>>)
      %dma_wait3A_149 = tpu.memref_slice %arg8[%sub3A_75] : memref<3456xi32, #tpu.memory_space<vmem>> -> memref<128xi32, #tpu.memory_space<vmem>>
      %dma_wait3A_150 = arith.constant 0 : i32
      %dma_wait3A_151 = arith.constant 0 : i32
      %dma_wait3A_152 = tpu.memref_slice %arg5[%dma_wait3A_150, %dma_wait3A_151] : memref<10000x128xf32, #tpu.memory_space<hbm>> -> memref<10000x128xf32, #tpu.memory_space<hbm>>
      tpu.wait_indirect_dma semaphore(%arg19 : memref<!tpu.dma_semaphore, #tpu.memory_space<semaphore_mem>>) src(%dma_wait3A_152 : memref<10000x128xf32, #tpu.memory_space<hbm>>) dst(%arg13 : memref<128x128xf32, #tpu.memory_space<vmem>>)
      %scan3A_153 = arith.constant 0 : i32
      %scan3A_154 = arith.constant 0 : i32
      %scan3A_155 = arith.constant 128 : i32
      %scan3A_156 = arith.addi %scan3A_154, %scan3A_155 : i32
      %scan3A_157 = arith.constant 1 : i32
      scf.for %scan3A_195 = %scan3A_154 to %scan3A_156 step %scan3A_157  : i32 {
        %get3A = arith.index_cast %scan3A_195 : i32 to index
        %get3A_196 = arith.constant 0 : index
        %get3A_197 = tpu.vector_load %arg13[%get3A, %get3A_196] {strides = array<i32>} : memref<128x128xf32, #tpu.memory_space<vmem>>, vector<1x16xf32>,
        %get3A_198 = vector.shape_cast %get3A_197 : vector<1x16xf32> to vector<16xf32>
        %swap3A = arith.index_cast %scan3A_195 : i32 to index
        %swap3A_199 = arith.constant 0 : index
        %swap3A_200 = tpu.vector_load %arg10[%swap3A, %swap3A_199] {strides = array<i32>} : memref<128x128xf32, #tpu.memory_space<vmem>>, vector<1x16xf32>,
        %swap3A_201 = vector.shape_cast %swap3A_200 : vector<1x16xf32> to vector<16xf32>
        %swap3A_202 = vector.shape_cast %get3A_198 : vector<16xf32> to vector<1x16xf32>
        tpu.vector_store %arg10[%swap3A, %swap3A_199], %swap3A_202 {add = true, strides = array<i32>} : memref<128x128xf32, #tpu.memory_space<vmem>>, vector<1x16xf32>,
        %get3A_203 = arith.index_cast %scan3A_195 : i32 to index
        %get3A_204 = arith.constant 16 : index
        %get3A_205 = tpu.vector_load %arg13[%get3A_203, %get3A_204] {strides = array<i32>} : memref<128x128xf32, #tpu.memory_space<vmem>>, vector<1x16xf32>,
        %get3A_206 = vector.shape_cast %get3A_205 : vector<1x16xf32> to vector<16xf32>
        %swap3A_207 = arith.index_cast %scan3A_195 : i32 to index
        %swap3A_208 = arith.constant 16 : index
        %swap3A_209 = tpu.vector_load %arg10[%swap3A_207, %swap3A_208] {strides = array<i32>} : memref<128x128xf32, #tpu.memory_space<vmem>>, vector<1x16xf32>,
        %swap3A_210 = vector.shape_cast %swap3A_209 : vector<1x16xf32> to vector<16xf32>
        %swap3A_211 = vector.shape_cast %get3A_206 : vector<16xf32> to vector<1x16xf32>
        tpu.vector_store %arg10[%swap3A_207, %swap3A_208], %swap3A_211 {add = true, strides = array<i32>} : memref<128x128xf32, #tpu.memory_space<vmem>>, vector<1x16xf32>,
        %get3A_212 = arith.index_cast %scan3A_195 : i32 to index
        %get3A_213 = arith.constant 32 : index
        %get3A_214 = tpu.vector_load %arg13[%get3A_212, %get3A_213] {strides = array<i32>} : memref<128x128xf32, #tpu.memory_space<vmem>>, vector<1x16xf32>,
        %get3A_215 = vector.shape_cast %get3A_214 : vector<1x16xf32> to vector<16xf32>
        %swap3A_216 = arith.index_cast %scan3A_195 : i32 to index
        %swap3A_217 = arith.constant 32 : index
        %swap3A_218 = tpu.vector_load %arg10[%swap3A_216, %swap3A_217] {strides = array<i32>} : memref<128x128xf32, #tpu.memory_space<vmem>>, vector<1x16xf32>,
        %swap3A_219 = vector.shape_cast %swap3A_218 : vector<1x16xf32> to vector<16xf32>
        %swap3A_220 = vector.shape_cast %get3A_215 : vector<16xf32> to vector<1x16xf32>
        tpu.vector_store %arg10[%swap3A_216, %swap3A_217], %swap3A_220 {add = true, strides = array<i32>} : memref<128x128xf32, #tpu.memory_space<vmem>>, vector<1x16xf32>,
        %get3A_221 = arith.index_cast %scan3A_195 : i32 to index
        %get3A_222 = arith.constant 48 : index
        %get3A_223 = tpu.vector_load %arg13[%get3A_221, %get3A_222] {strides = array<i32>} : memref<128x128xf32, #tpu.memory_space<vmem>>, vector<1x16xf32>,
        %get3A_224 = vector.shape_cast %get3A_223 : vector<1x16xf32> to vector<16xf32>
        %swap3A_225 = arith.index_cast %scan3A_195 : i32 to index
        %swap3A_226 = arith.constant 48 : index
        %swap3A_227 = tpu.vector_load %arg10[%swap3A_225, %swap3A_226] {strides = array<i32>} : memref<128x128xf32, #tpu.memory_space<vmem>>, vector<1x16xf32>,
        %swap3A_228 = vector.shape_cast %swap3A_227 : vector<1x16xf32> to vector<16xf32>
        %swap3A_229 = vector.shape_cast %get3A_224 : vector<16xf32> to vector<1x16xf32>
        tpu.vector_store %arg10[%swap3A_225, %swap3A_226], %swap3A_229 {add = true, strides = array<i32>} : memref<128x128xf32, #tpu.memory_space<vmem>>, vector<1x16xf32>,
        %get3A_230 = arith.index_cast %scan3A_195 : i32 to index
        %get3A_231 = arith.constant 64 : index
        %get3A_232 = tpu.vector_load %arg13[%get3A_230, %get3A_231] {strides = array<i32>} : memref<128x128xf32, #tpu.memory_space<vmem>>, vector<1x16xf32>,
        %get3A_233 = vector.shape_cast %get3A_232 : vector<1x16xf32> to vector<16xf32>
        %swap3A_234 = arith.index_cast %scan3A_195 : i32 to index
        %swap3A_235 = arith.constant 64 : index
        %swap3A_236 = tpu.vector_load %arg10[%swap3A_234, %swap3A_235] {strides = array<i32>} : memref<128x128xf32, #tpu.memory_space<vmem>>, vector<1x16xf32>,
        %swap3A_237 = vector.shape_cast %swap3A_236 : vector<1x16xf32> to vector<16xf32>
        %swap3A_238 = vector.shape_cast %get3A_233 : vector<16xf32> to vector<1x16xf32>
        tpu.vector_store %arg10[%swap3A_234, %swap3A_235], %swap3A_238 {add = true, strides = array<i32>} : memref<128x128xf32, #tpu.memory_space<vmem>>, vector<1x16xf32>,
        %get3A_239 = arith.index_cast %scan3A_195 : i32 to index
        %get3A_240 = arith.constant 80 : index
        %get3A_241 = tpu.vector_load %arg13[%get3A_239, %get3A_240] {strides = array<i32>} : memref<128x128xf32, #tpu.memory_space<vmem>>, vector<1x16xf32>,
        %get3A_242 = vector.shape_cast %get3A_241 : vector<1x16xf32> to vector<16xf32>
        %swap3A_243 = arith.index_cast %scan3A_195 : i32 to index
        %swap3A_244 = arith.constant 80 : index
        %swap3A_245 = tpu.vector_load %arg10[%swap3A_243, %swap3A_244] {strides = array<i32>} : memref<128x128xf32, #tpu.memory_space<vmem>>, vector<1x16xf32>,
        %swap3A_246 = vector.shape_cast %swap3A_245 : vector<1x16xf32> to vector<16xf32>
        %swap3A_247 = vector.shape_cast %get3A_242 : vector<16xf32> to vector<1x16xf32>
        tpu.vector_store %arg10[%swap3A_243, %swap3A_244], %swap3A_247 {add = true, strides = array<i32>} : memref<128x128xf32, #tpu.memory_space<vmem>>, vector<1x16xf32>,
        %get3A_248 = arith.index_cast %scan3A_195 : i32 to index
        %get3A_249 = arith.constant 96 : index
        %get3A_250 = tpu.vector_load %arg13[%get3A_248, %get3A_249] {strides = array<i32>} : memref<128x128xf32, #tpu.memory_space<vmem>>, vector<1x16xf32>,
        %get3A_251 = vector.shape_cast %get3A_250 : vector<1x16xf32> to vector<16xf32>
        %swap3A_252 = arith.index_cast %scan3A_195 : i32 to index
        %swap3A_253 = arith.constant 96 : index
        %swap3A_254 = tpu.vector_load %arg10[%swap3A_252, %swap3A_253] {strides = array<i32>} : memref<128x128xf32, #tpu.memory_space<vmem>>, vector<1x16xf32>,
        %swap3A_255 = vector.shape_cast %swap3A_254 : vector<1x16xf32> to vector<16xf32>
        %swap3A_256 = vector.shape_cast %get3A_251 : vector<16xf32> to vector<1x16xf32>
        tpu.vector_store %arg10[%swap3A_252, %swap3A_253], %swap3A_256 {add = true, strides = array<i32>} : memref<128x128xf32, #tpu.memory_space<vmem>>, vector<1x16xf32>,
        %get3A_257 = arith.index_cast %scan3A_195 : i32 to index
        %get3A_258 = arith.constant 112 : index
        %get3A_259 = tpu.vector_load %arg13[%get3A_257, %get3A_258] {strides = array<i32>} : memref<128x128xf32, #tpu.memory_space<vmem>>, vector<1x16xf32>,
        %get3A_260 = vector.shape_cast %get3A_259 : vector<1x16xf32> to vector<16xf32>
        %swap3A_261 = arith.index_cast %scan3A_195 : i32 to index
        %swap3A_262 = arith.constant 112 : index
        %swap3A_263 = tpu.vector_load %arg10[%swap3A_261, %swap3A_262] {strides = array<i32>} : memref<128x128xf32, #tpu.memory_space<vmem>>, vector<1x16xf32>,
        %swap3A_264 = vector.shape_cast %swap3A_263 : vector<1x16xf32> to vector<16xf32>
        %swap3A_265 = vector.shape_cast %get3A_260 : vector<16xf32> to vector<1x16xf32>
        tpu.vector_store %arg10[%swap3A_261, %swap3A_262], %swap3A_265 {add = true, strides = array<i32>} : memref<128x128xf32, #tpu.memory_space<vmem>>, vector<1x16xf32>,
      }
      %scan3A_158 = arith.constant 128 : i32
      %add3A_159 = arith.addi %add3A_4, %add3A_144 : i32
      %mul3A_160 = arith.constant 128 : i32
      %mul3A_161 = arith.muli %add3A_159, %mul3A_160 : i32
      %min3A_162 = arith.constant 99872 : i32
      %min3A_163 = arith.minsi %mul3A_161, %min3A_162 : i32
      %dma_start3A_164 = arith.constant 0 : i32
      %dma_start3A_165 = tpu.memref_slice %arg6[%min3A_163, %dma_start3A_164] : memref<100000x128xf32, #tpu.memory_space<hbm>> -> memref<128x128xf32, #tpu.memory_space<hbm>>
      %dma_start3A_166 = arith.constant 0 : i32
      %dma_start3A_167 = tpu.memref_slice %arg6[%min3A_163, %dma_start3A_166] : memref<100000x128xf32, #tpu.memory_space<hbm>> -> memref<128x128xf32, #tpu.memory_space<hbm>>
      tpu.enqueue_dma source(%arg10 : memref<128x128xf32, #tpu.memory_space<vmem>>) target(%dma_start3A_167 : memref<128x128xf32, #tpu.memory_space<hbm>>) target_semaphore(%arg22 : memref<!tpu.dma_semaphore, #tpu.memory_space<semaphore_mem>>)
      %mul3A_168 = arith.constant 3 : i32
      %mul3A_169 = arith.muli %scan3A_43, %mul3A_168 : i32
      %add3A_170 = arith.constant 2 : i32
      %add3A_171 = arith.addi %mul3A_169, %add3A_170 : i32
      %dma_wait3A_172 = tpu.memref_slice %arg7[%sub3A_100] : memref<3456xi32, #tpu.memory_space<vmem>> -> memref<128xi32, #tpu.memory_space<vmem>>
      %dma_wait3A_173 = arith.constant 0 : i32
      %dma_wait3A_174 = arith.constant 0 : i32
      %dma_wait3A_175 = tpu.memref_slice %arg4[%dma_wait3A_173, %dma_wait3A_174] : memref<10000x128xf32, #tpu.memory_space<hbm>> -> memref<10000x128xf32, #tpu.memory_space<hbm>>
      tpu.wait_indirect_dma semaphore(%arg17 : memref<!tpu.dma_semaphore, #tpu.memory_space<semaphore_mem>>) src(%dma_wait3A_175 : memref<10000x128xf32, #tpu.memory_space<hbm>>) dst(%arg11 : memref<128x128xf32, #tpu.memory_space<vmem>>)
      %dma_wait3A_176 = tpu.memref_slice %arg8[%sub3A_100] : memref<3456xi32, #tpu.memory_space<vmem>> -> memref<128xi32, #tpu.memory_space<vmem>>
      %dma_wait3A_177 = arith.constant 0 : i32
      %dma_wait3A_178 = arith.constant 0 : i32
      %dma_wait3A_179 = tpu.memref_slice %arg5[%dma_wait3A_177, %dma_wait3A_178] : memref<10000x128xf32, #tpu.memory_space<hbm>> -> memref<10000x128xf32, #tpu.memory_space<hbm>>
      tpu.wait_indirect_dma semaphore(%arg20 : memref<!tpu.dma_semaphore, #tpu.memory_space<semaphore_mem>>) src(%dma_wait3A_179 : memref<10000x128xf32, #tpu.memory_space<hbm>>) dst(%arg14 : memref<128x128xf32, #tpu.memory_space<vmem>>)
      %scan3A_180 = arith.constant 0 : i32
      %scan3A_181 = arith.constant 0 : i32
      %scan3A_182 = arith.constant 128 : i32
      %scan3A_183 = arith.addi %scan3A_181, %scan3A_182 : i32
      %scan3A_184 = arith.constant 1 : i32
      scf.for %scan3A_195 = %scan3A_181 to %scan3A_183 step %scan3A_184  : i32 {
        %get3A = arith.index_cast %scan3A_195 : i32 to index
        %get3A_196 = arith.constant 0 : index
        %get3A_197 = tpu.vector_load %arg14[%get3A, %get3A_196] {strides = array<i32>} : memref<128x128xf32, #tpu.memory_space<vmem>>, vector<1x16xf32>,
        %get3A_198 = vector.shape_cast %get3A_197 : vector<1x16xf32> to vector<16xf32>
        %swap3A = arith.index_cast %scan3A_195 : i32 to index
        %swap3A_199 = arith.constant 0 : index
        %swap3A_200 = tpu.vector_load %arg11[%swap3A, %swap3A_199] {strides = array<i32>} : memref<128x128xf32, #tpu.memory_space<vmem>>, vector<1x16xf32>,
        %swap3A_201 = vector.shape_cast %swap3A_200 : vector<1x16xf32> to vector<16xf32>
        %swap3A_202 = vector.shape_cast %get3A_198 : vector<16xf32> to vector<1x16xf32>
        tpu.vector_store %arg11[%swap3A, %swap3A_199], %swap3A_202 {add = true, strides = array<i32>} : memref<128x128xf32, #tpu.memory_space<vmem>>, vector<1x16xf32>,
        %get3A_203 = arith.index_cast %scan3A_195 : i32 to index
        %get3A_204 = arith.constant 16 : index
        %get3A_205 = tpu.vector_load %arg14[%get3A_203, %get3A_204] {strides = array<i32>} : memref<128x128xf32, #tpu.memory_space<vmem>>, vector<1x16xf32>,
        %get3A_206 = vector.shape_cast %get3A_205 : vector<1x16xf32> to vector<16xf32>
        %swap3A_207 = arith.index_cast %scan3A_195 : i32 to index
        %swap3A_208 = arith.constant 16 : index
        %swap3A_209 = tpu.vector_load %arg11[%swap3A_207, %swap3A_208] {strides = array<i32>} : memref<128x128xf32, #tpu.memory_space<vmem>>, vector<1x16xf32>,
        %swap3A_210 = vector.shape_cast %swap3A_209 : vector<1x16xf32> to vector<16xf32>
        %swap3A_211 = vector.shape_cast %get3A_206 : vector<16xf32> to vector<1x16xf32>
        tpu.vector_store %arg11[%swap3A_207, %swap3A_208], %swap3A_211 {add = true, strides = array<i32>} : memref<128x128xf32, #tpu.memory_space<vmem>>, vector<1x16xf32>,
        %get3A_212 = arith.index_cast %scan3A_195 : i32 to index
        %get3A_213 = arith.constant 32 : index
        %get3A_214 = tpu.vector_load %arg14[%get3A_212, %get3A_213] {strides = array<i32>} : memref<128x128xf32, #tpu.memory_space<vmem>>, vector<1x16xf32>,
        %get3A_215 = vector.shape_cast %get3A_214 : vector<1x16xf32> to vector<16xf32>
        %swap3A_216 = arith.index_cast %scan3A_195 : i32 to index
        %swap3A_217 = arith.constant 32 : index
        %swap3A_218 = tpu.vector_load %arg11[%swap3A_216, %swap3A_217] {strides = array<i32>} : memref<128x128xf32, #tpu.memory_space<vmem>>, vector<1x16xf32>,
        %swap3A_219 = vector.shape_cast %swap3A_218 : vector<1x16xf32> to vector<16xf32>
        %swap3A_220 = vector.shape_cast %get3A_215 : vector<16xf32> to vector<1x16xf32>
        tpu.vector_store %arg11[%swap3A_216, %swap3A_217], %swap3A_220 {add = true, strides = array<i32>} : memref<128x128xf32, #tpu.memory_space<vmem>>, vector<1x16xf32>,
        %get3A_221 = arith.index_cast %scan3A_195 : i32 to index
        %get3A_222 = arith.constant 48 : index
        %get3A_223 = tpu.vector_load %arg14[%get3A_221, %get3A_222] {strides = array<i32>} : memref<128x128xf32, #tpu.memory_space<vmem>>, vector<1x16xf32>,
        %get3A_224 = vector.shape_cast %get3A_223 : vector<1x16xf32> to vector<16xf32>
        %swap3A_225 = arith.index_cast %scan3A_195 : i32 to index
        %swap3A_226 = arith.constant 48 : index
        %swap3A_227 = tpu.vector_load %arg11[%swap3A_225, %swap3A_226] {strides = array<i32>} : memref<128x128xf32, #tpu.memory_space<vmem>>, vector<1x16xf32>,
        %swap3A_228 = vector.shape_cast %swap3A_227 : vector<1x16xf32> to vector<16xf32>
        %swap3A_229 = vector.shape_cast %get3A_224 : vector<16xf32> to vector<1x16xf32>
        tpu.vector_store %arg11[%swap3A_225, %swap3A_226], %swap3A_229 {add = true, strides = array<i32>} : memref<128x128xf32, #tpu.memory_space<vmem>>, vector<1x16xf32>,
        %get3A_230 = arith.index_cast %scan3A_195 : i32 to index
        %get3A_231 = arith.constant 64 : index
        %get3A_232 = tpu.vector_load %arg14[%get3A_230, %get3A_231] {strides = array<i32>} : memref<128x128xf32, #tpu.memory_space<vmem>>, vector<1x16xf32>,
        %get3A_233 = vector.shape_cast %get3A_232 : vector<1x16xf32> to vector<16xf32>
        %swap3A_234 = arith.index_cast %scan3A_195 : i32 to index
        %swap3A_235 = arith.constant 64 : index
        %swap3A_236 = tpu.vector_load %arg11[%swap3A_234, %swap3A_235] {strides = array<i32>} : memref<128x128xf32, #tpu.memory_space<vmem>>, vector<1x16xf32>,
        %swap3A_237 = vector.shape_cast %swap3A_236 : vector<1x16xf32> to vector<16xf32>
        %swap3A_238 = vector.shape_cast %get3A_233 : vector<16xf32> to vector<1x16xf32>
        tpu.vector_store %arg11[%swap3A_234, %swap3A_235], %swap3A_238 {add = true, strides = array<i32>} : memref<128x128xf32, #tpu.memory_space<vmem>>, vector<1x16xf32>,
        %get3A_239 = arith.index_cast %scan3A_195 : i32 to index
        %get3A_240 = arith.constant 80 : index
        %get3A_241 = tpu.vector_load %arg14[%get3A_239, %get3A_240] {strides = array<i32>} : memref<128x128xf32, #tpu.memory_space<vmem>>, vector<1x16xf32>,
        %get3A_242 = vector.shape_cast %get3A_241 : vector<1x16xf32> to vector<16xf32>
        %swap3A_243 = arith.index_cast %scan3A_195 : i32 to index
        %swap3A_244 = arith.constant 80 : index
        %swap3A_245 = tpu.vector_load %arg11[%swap3A_243, %swap3A_244] {strides = array<i32>} : memref<128x128xf32, #tpu.memory_space<vmem>>, vector<1x16xf32>,
        %swap3A_246 = vector.shape_cast %swap3A_245 : vector<1x16xf32> to vector<16xf32>
        %swap3A_247 = vector.shape_cast %get3A_242 : vector<16xf32> to vector<1x16xf32>
        tpu.vector_store %arg11[%swap3A_243, %swap3A_244], %swap3A_247 {add = true, strides = array<i32>} : memref<128x128xf32, #tpu.memory_space<vmem>>, vector<1x16xf32>,
        %get3A_248 = arith.index_cast %scan3A_195 : i32 to index
        %get3A_249 = arith.constant 96 : index
        %get3A_250 = tpu.vector_load %arg14[%get3A_248, %get3A_249] {strides = array<i32>} : memref<128x128xf32, #tpu.memory_space<vmem>>, vector<1x16xf32>,
        %get3A_251 = vector.shape_cast %get3A_250 : vector<1x16xf32> to vector<16xf32>
        %swap3A_252 = arith.index_cast %scan3A_195 : i32 to index
        %swap3A_253 = arith.constant 96 : index
        %swap3A_254 = tpu.vector_load %arg11[%swap3A_252, %swap3A_253] {strides = array<i32>} : memref<128x128xf32, #tpu.memory_space<vmem>>, vector<1x16xf32>,
        %swap3A_255 = vector.shape_cast %swap3A_254 : vector<1x16xf32> to vector<16xf32>
        %swap3A_256 = vector.shape_cast %get3A_251 : vector<16xf32> to vector<1x16xf32>
        tpu.vector_store %arg11[%swap3A_252, %swap3A_253], %swap3A_256 {add = true, strides = array<i32>} : memref<128x128xf32, #tpu.memory_space<vmem>>, vector<1x16xf32>,
        %get3A_257 = arith.index_cast %scan3A_195 : i32 to index
        %get3A_258 = arith.constant 112 : index
        %get3A_259 = tpu.vector_load %arg14[%get3A_257, %get3A_258] {strides = array<i32>} : memref<128x128xf32, #tpu.memory_space<vmem>>, vector<1x16xf32>,
        %get3A_260 = vector.shape_cast %get3A_259 : vector<1x16xf32> to vector<16xf32>
        %swap3A_261 = arith.index_cast %scan3A_195 : i32 to index
        %swap3A_262 = arith.constant 112 : index
        %swap3A_263 = tpu.vector_load %arg11[%swap3A_261, %swap3A_262] {strides = array<i32>} : memref<128x128xf32, #tpu.memory_space<vmem>>, vector<1x16xf32>,
        %swap3A_264 = vector.shape_cast %swap3A_263 : vector<1x16xf32> to vector<16xf32>
        %swap3A_265 = vector.shape_cast %get3A_260 : vector<16xf32> to vector<1x16xf32>
        tpu.vector_store %arg11[%swap3A_261, %swap3A_262], %swap3A_265 {add = true, strides = array<i32>} : memref<128x128xf32, #tpu.memory_space<vmem>>, vector<1x16xf32>,
      }
      %scan3A_185 = arith.constant 128 : i32
      %add3A_186 = arith.addi %add3A_4, %add3A_171 : i32
      %mul3A_187 = arith.constant 128 : i32
      %mul3A_188 = arith.muli %add3A_186, %mul3A_187 : i32
      %min3A_189 = arith.constant 99872 : i32
      %min3A_190 = arith.minsi %mul3A_188, %min3A_189 : i32
      %dma_start3A_191 = arith.constant 0 : i32
      %dma_start3A_192 = tpu.memref_slice %arg6[%min3A_190, %dma_start3A_191] : memref<100000x128xf32, #tpu.memory_space<hbm>> -> memref<128x128xf32, #tpu.memory_space<hbm>>
      %dma_start3A_193 = arith.constant 0 : i32
      %dma_start3A_194 = tpu.memref_slice %arg6[%min3A_190, %dma_start3A_193] : memref<100000x128xf32, #tpu.memory_space<hbm>> -> memref<128x128xf32, #tpu.memory_space<hbm>>
      tpu.enqueue_dma source(%arg11 : memref<128x128xf32, #tpu.memory_space<vmem>>) target(%dma_start3A_194 : memref<128x128xf32, #tpu.memory_space<hbm>>) target_semaphore(%arg23 : memref<!tpu.dma_semaphore, #tpu.memory_space<semaphore_mem>>)
    }
    %scan3A_13 = arith.constant 9 : i32
    %add3A_14 = arith.constant 0 : i32
    %add3A_15 = arith.addi %add3A_4, %add3A_14 : i32
    %mul3A_16 = arith.constant 128 : i32
    %mul3A_17 = arith.muli %add3A_15, %mul3A_16 : i32
    %min3A_18 = arith.constant 99872 : i32
    %min3A_19 = arith.minsi %mul3A_17, %min3A_18 : i32
    %dma_wait3A = arith.constant 0 : i32
    %dma_wait3A_20 = tpu.memref_slice %arg6[%min3A_19, %dma_wait3A] : memref<100000x128xf32, #tpu.memory_space<hbm>> -> memref<128x128xf32, #tpu.memory_space<hbm>>
    %dma_wait3A_21 = arith.constant 0 : i32
    %dma_wait3A_22 = tpu.memref_slice %arg6[%min3A_19, %dma_wait3A_21] : memref<100000x128xf32, #tpu.memory_space<hbm>> -> memref<128x128xf32, #tpu.memory_space<hbm>>
    tpu.wait_dma2 semaphore(%arg21 : memref<!tpu.dma_semaphore, #tpu.memory_space<semaphore_mem>>) src(%arg9 : memref<128x128xf32, #tpu.memory_space<vmem>>) dst(%dma_wait3A_22 : memref<128x128xf32, #tpu.memory_space<hbm>>)
    %add3A_23 = arith.constant 1 : i32
    %add3A_24 = arith.addi %add3A_4, %add3A_23 : i32
    %mul3A_25 = arith.constant 128 : i32
    %mul3A_26 = arith.muli %add3A_24, %mul3A_25 : i32
    %min3A_27 = arith.constant 99872 : i32
    %min3A_28 = arith.minsi %mul3A_26, %min3A_27 : i32
    %dma_wait3A_29 = arith.constant 0 : i32
    %dma_wait3A_30 = tpu.memref_slice %arg6[%min3A_28, %dma_wait3A_29] : memref<100000x128xf32, #tpu.memory_space<hbm>> -> memref<128x128xf32, #tpu.memory_space<hbm>>
    %dma_wait3A_31 = arith.constant 0 : i32
    %dma_wait3A_32 = tpu.memref_slice %arg6[%min3A_28, %dma_wait3A_31] : memref<100000x128xf32, #tpu.memory_space<hbm>> -> memref<128x128xf32, #tpu.memory_space<hbm>>
    tpu.wait_dma2 semaphore(%arg22 : memref<!tpu.dma_semaphore, #tpu.memory_space<semaphore_mem>>) src(%arg10 : memref<128x128xf32, #tpu.memory_space<vmem>>) dst(%dma_wait3A_32 : memref<128x128xf32, #tpu.memory_space<hbm>>)
    %add3A_33 = arith.constant 2 : i32
    %add3A_34 = arith.addi %add3A_4, %add3A_33 : i32
    %mul3A_35 = arith.constant 128 : i32
    %mul3A_36 = arith.muli %add3A_34, %mul3A_35 : i32
    %min3A_37 = arith.constant 99872 : i32
    %min3A_38 = arith.minsi %mul3A_36, %min3A_37 : i32
    %dma_wait3A_39 = arith.constant 0 : i32
    %dma_wait3A_40 = tpu.memref_slice %arg6[%min3A_38, %dma_wait3A_39] : memref<100000x128xf32, #tpu.memory_space<hbm>> -> memref<128x128xf32, #tpu.memory_space<hbm>>
    %dma_wait3A_41 = arith.constant 0 : i32
    %dma_wait3A_42 = tpu.memref_slice %arg6[%min3A_38, %dma_wait3A_41] : memref<100000x128xf32, #tpu.memory_space<hbm>> -> memref<128x128xf32, #tpu.memory_space<hbm>>
    tpu.wait_dma2 semaphore(%arg23 : memref<!tpu.dma_semaphore, #tpu.memory_space<semaphore_mem>>) src(%arg11 : memref<128x128xf32, #tpu.memory_space<vmem>>) dst(%dma_wait3A_42 : memref<128x128xf32, #tpu.memory_space<hbm>>)
    return
  }
}

module attributes {stable_mosaic.version = 14 : i64} {
  func.func @body(%arg0: i32, %arg1: memref<2x1000x128xf32, #tpu.memory_space<vmem>>, %arg2: memref<1000x128xf32, #tpu.memory_space<vmem>>, %arg3: memref<128x128xf32, #tpu.memory_space<vmem>>, %arg4: memref<1000x128xf32, #tpu.memory_space<vmem>>) attributes {dimension_semantics = [#tpu.dimension_semantics<arbitrary>], iteration_bounds = array<i64: 10>, scalar_prefetch = 0 : i64, scratch_operands = 0 : i64, tpu.core_type = #tpu.core_type<tc>, window_params = [{transform_indices = @transform_0, window_bounds = array<i64: 2, 1000, 128>}, {transform_indices = @transform_1, window_bounds = array<i64: 1000, 128>}, {pipeline_mode = #tpu.pipeline_mode<synchronous>, transform_indices = @transform_2, window_bounds = array<i64: 128, 128>}, {transform_indices = @transform_3, window_bounds = array<i64: 1000, 128>}]} {
    %get3A = arith.constant 0 : index
    %get3A_0 = arith.constant 0 : index
    %get3A_1 = arith.constant 0 : index
    %get3A_2 = vector.load %arg1[%get3A, %get3A_0, %get3A_1] : memref<2x1000x128xf32, #tpu.memory_space<vmem>>, vector<1x1000x128xf32>
    %get3A_3 = vector.shape_cast %get3A_2 : vector<1x1000x128xf32> to vector<1000x128xf32>
    %get3A_4 = arith.constant 1 : index
    %get3A_5 = arith.constant 0 : index
    %get3A_6 = arith.constant 0 : index
    %get3A_7 = vector.load %arg1[%get3A_4, %get3A_5, %get3A_6] : memref<2x1000x128xf32, #tpu.memory_space<vmem>>, vector<1x1000x128xf32>
    %get3A_8 = vector.shape_cast %get3A_7 : vector<1x1000x128xf32> to vector<1000x128xf32>
    %add3A = arith.addf %get3A_3, %get3A_8 : vector<1000x128xf32>
    %slice3A = vector.extract_strided_slice %add3A {offsets = [0, 0], sizes = [1000, 1], strides = [1, 1]} : vector<1000x128xf32> to vector<1000x1xf32>
    %add3A_9 = arith.constant 1.000000e+00 : f32
    %add3A_10 = vector.broadcast %add3A_9 : f32 to vector<1000x1xf32>
    %add3A_11 = arith.addf %slice3A, %add3A_10 : vector<1000x1xf32>
    %rsqrt3A = math.rsqrt %add3A_11 : vector<1000x1xf32>
    %get3A_12 = arith.constant 0 : index
    %get3A_13 = arith.constant 0 : index
    %get3A_14 = vector.load %arg2[%get3A_12, %get3A_13] : memref<1000x128xf32, #tpu.memory_space<vmem>>, vector<1000x128xf32>
    %get3A_15 = arith.constant 0 : index
    %get3A_16 = arith.constant 0 : index
    %get3A_17 = vector.load %arg3[%get3A_15, %get3A_16] : memref<128x128xf32, #tpu.memory_space<vmem>>, vector<128x128xf32>
    %dot_general3A = arith.constant dense<0.000000e+00> : vector<1000x128xf32>
    %dot_general3A_18 = tpu.matmul %get3A_14, %get3A_17, %dot_general3A {dimension_numbers = #tpu.dot_dimension_numbers<[1], [0], [0], [1], [0, 0, 1, 1], [], []>, transpose_lhs_hint = false} : vector<1000x128xf32>, vector<128x128xf32>, vector<1000x128xf32> -> vector<1000x128xf32>
    %mul3A = vector.broadcast %rsqrt3A : vector<1000x1xf32> to vector<1000x128xf32>
    %mul3A_19 = arith.mulf %mul3A, %dot_general3A_18 : vector<1000x128xf32>
    %swap3A = arith.constant 0 : index
    %swap3A_20 = arith.constant 0 : index
    %swap3A_21 = vector.load %arg4[%swap3A, %swap3A_20] : memref<1000x128xf32, #tpu.memory_space<vmem>>, vector<1000x128xf32>
    tpu.vector_store %arg4[%swap3A, %swap3A_20], %mul3A_19 {strides = array<i32>} : memref<1000x128xf32, #tpu.memory_space<vmem>>, vector<1000x128xf32>,
    return
  }
  func.func @transform_0(%arg0: i32) -> (i32, i32, i32) {
    %c0_i32 = arith.constant 0 : i32
    %c0_i32_0 = arith.constant 0 : i32
    %c0_i32_1 = arith.constant 0 : i32
    return %c0_i32, %arg0, %c0_i32_0 : i32, i32, i32
  }
  func.func @transform_1(%arg0: i32) -> (i32, i32) {
    %c0_i32 = arith.constant 0 : i32
    %c0_i32_0 = arith.constant 0 : i32
    return %arg0, %c0_i32 : i32, i32
  }
  func.func @transform_2(%arg0: i32) -> (i32, i32) {
    %c0_i32 = arith.constant 0 : i32
    %c0_i32_0 = arith.constant 0 : i32
    %c0_i32_1 = arith.constant 0 : i32
    return %c0_i32, %c0_i32_0 : i32, i32
  }
  func.func @transform_3(%arg0: i32) -> (i32, i32) {
    %c0_i32 = arith.constant 0 : i32
    %c0_i32_0 = arith.constant 0 : i32
    return %arg0, %c0_i32 : i32, i32
  }
}

module attributes {stable_mosaic.version = 14 : i64} {
  func.func @body(%arg0: i32, %arg1: memref<2x1000x128xf32, #tpu.memory_space<vmem>>, %arg2: memref<2x1000x128xf32, #tpu.memory_space<vmem>>, %arg3: memref<1000x128xf32, #tpu.memory_space<vmem>>, %arg4: memref<256x128xf32, #tpu.memory_space<vmem>>, %arg5: memref<1x128xf32, #tpu.memory_space<vmem>>, %arg6: memref<1x128xf32, #tpu.memory_space<vmem>>, %arg7: memref<1000x128xf32, #tpu.memory_space<vmem>>, %arg8: memref<1000x128xf32, #tpu.memory_space<vmem>>) attributes {dimension_semantics = [#tpu.dimension_semantics<arbitrary>], iteration_bounds = array<i64: 10>, scalar_prefetch = 0 : i64, scratch_operands = 0 : i64, tpu.core_type = #tpu.core_type<tc>, window_params = [{transform_indices = @transform_0, window_bounds = array<i64: 2, 1000, 128>}, {transform_indices = @transform_1, window_bounds = array<i64: 2, 1000, 128>}, {transform_indices = @transform_2, window_bounds = array<i64: 1000, 128>}, {pipeline_mode = #tpu.pipeline_mode<synchronous>, transform_indices = @transform_3, window_bounds = array<i64: 256, 128>}, {pipeline_mode = #tpu.pipeline_mode<synchronous>, transform_indices = @transform_4, window_bounds = array<i64: 1, 128>}, {pipeline_mode = #tpu.pipeline_mode<synchronous>, transform_indices = @transform_5, window_bounds = array<i64: 1, 128>}, {transform_indices = @transform_6, window_bounds = array<i64: 1000, 128>}, {transform_indices = @transform_7, window_bounds = array<i64: 1000, 128>}]} {
    %get3A = arith.constant 0 : index
    %get3A_0 = arith.constant 0 : index
    %get3A_1 = arith.constant 0 : index
    %get3A_2 = vector.load %arg1[%get3A, %get3A_0, %get3A_1] : memref<2x1000x128xf32, #tpu.memory_space<vmem>>, vector<1x1000x128xf32>
    %get3A_3 = vector.shape_cast %get3A_2 : vector<1x1000x128xf32> to vector<1000x128xf32>
    %get3A_4 = arith.constant 1 : index
    %get3A_5 = arith.constant 0 : index
    %get3A_6 = arith.constant 0 : index
    %get3A_7 = vector.load %arg1[%get3A_4, %get3A_5, %get3A_6] : memref<2x1000x128xf32, #tpu.memory_space<vmem>>, vector<1x1000x128xf32>
    %get3A_8 = vector.shape_cast %get3A_7 : vector<1x1000x128xf32> to vector<1000x128xf32>
    %add3A = arith.addf %get3A_3, %get3A_8 : vector<1000x128xf32>
    %slice3A = vector.extract_strided_slice %add3A {offsets = [0, 0], sizes = [1000, 1], strides = [1, 1]} : vector<1000x128xf32> to vector<1000x1xf32>
    %add3A_9 = arith.constant 1.000000e+00 : f32
    %add3A_10 = vector.broadcast %add3A_9 : f32 to vector<1000x1xf32>
    %add3A_11 = arith.addf %slice3A, %add3A_10 : vector<1000x1xf32>
    %rsqrt3A = math.rsqrt %add3A_11 : vector<1000x1xf32>
    %get3A_12 = arith.constant 0 : index
    %get3A_13 = arith.constant 0 : index
    %get3A_14 = arith.constant 0 : index
    %get3A_15 = vector.load %arg2[%get3A_12, %get3A_13, %get3A_14] : memref<2x1000x128xf32, #tpu.memory_space<vmem>>, vector<1x1000x128xf32>
    %get3A_16 = vector.shape_cast %get3A_15 : vector<1x1000x128xf32> to vector<1000x128xf32>
    %get3A_17 = arith.constant 1 : index
    %get3A_18 = arith.constant 0 : index
    %get3A_19 = arith.constant 0 : index
    %get3A_20 = vector.load %arg2[%get3A_17, %get3A_18, %get3A_19] : memref<2x1000x128xf32, #tpu.memory_space<vmem>>, vector<1x1000x128xf32>
    %get3A_21 = vector.shape_cast %get3A_20 : vector<1x1000x128xf32> to vector<1000x128xf32>
    %add3A_22 = arith.addf %get3A_16, %get3A_21 : vector<1000x128xf32>
    %get3A_23 = arith.constant 0 : index
    %get3A_24 = arith.constant 0 : index
    %get3A_25 = vector.load %arg3[%get3A_23, %get3A_24] : memref<1000x128xf32, #tpu.memory_space<vmem>>, vector<1000x128xf32>
    %add3A_26 = arith.addf %add3A_22, %get3A_25 : vector<1000x128xf32>
    %mul3A = vector.broadcast %rsqrt3A : vector<1000x1xf32> to vector<1000x128xf32>
    %mul3A_27 = arith.mulf %mul3A, %add3A_26 : vector<1000x128xf32>
    %get3A_28 = arith.constant 0 : index
    %get3A_29 = arith.constant 0 : index
    %get3A_30 = vector.load %arg5[%get3A_28, %get3A_29] : memref<1x128xf32, #tpu.memory_space<vmem>>, vector<1x128xf32>
    %add3A_31 = vector.broadcast %get3A_30 : vector<1x128xf32> to vector<1000x128xf32>
    %add3A_32 = arith.addf %mul3A_27, %add3A_31 : vector<1000x128xf32>
    %get3A_33 = arith.constant 0 : index
    %get3A_34 = arith.constant 0 : index
    %get3A_35 = vector.load %arg4[%get3A_33, %get3A_34] : memref<256x128xf32, #tpu.memory_space<vmem>>, vector<128x128xf32>
    %dot_general3A = arith.constant dense<0.000000e+00> : vector<1000x128xf32>
    %dot_general3A_36 = tpu.matmul %add3A_32, %get3A_35, %dot_general3A {dimension_numbers = #tpu.dot_dimension_numbers<[1], [0], [0], [1], [0, 0, 1, 1], [], []>, transpose_lhs_hint = false} : vector<1000x128xf32>, vector<128x128xf32>, vector<1000x128xf32> -> vector<1000x128xf32>
    %get3A_37 = arith.constant 0 : index
    %get3A_38 = arith.constant 0 : index
    %get3A_39 = vector.load %arg6[%get3A_37, %get3A_38] : memref<1x128xf32, #tpu.memory_space<vmem>>, vector<1x128xf32>
    %add3A_40 = vector.broadcast %get3A_39 : vector<1x128xf32> to vector<1000x128xf32>
    %add3A_41 = arith.addf %dot_general3A_36, %add3A_40 : vector<1000x128xf32>
    %swap3A = arith.constant 0 : index
    %swap3A_42 = arith.constant 0 : index
    %swap3A_43 = vector.load %arg7[%swap3A, %swap3A_42] : memref<1000x128xf32, #tpu.memory_space<vmem>>, vector<1000x128xf32>
    tpu.vector_store %arg7[%swap3A, %swap3A_42], %add3A_41 {strides = array<i32>} : memref<1000x128xf32, #tpu.memory_space<vmem>>, vector<1000x128xf32>,
    %get3A_44 = arith.constant 128 : index
    %get3A_45 = arith.constant 0 : index
    %get3A_46 = vector.load %arg4[%get3A_44, %get3A_45] : memref<256x128xf32, #tpu.memory_space<vmem>>, vector<128x128xf32>
    %dot_general3A_47 = arith.constant dense<0.000000e+00> : vector<1000x128xf32>
    %dot_general3A_48 = tpu.matmul %add3A_32, %get3A_46, %dot_general3A_47 {dimension_numbers = #tpu.dot_dimension_numbers<[1], [0], [0], [1], [0, 0, 1, 1], [], []>, transpose_lhs_hint = false} : vector<1000x128xf32>, vector<128x128xf32>, vector<1000x128xf32> -> vector<1000x128xf32>
    %swap3A_49 = arith.constant 0 : index
    %swap3A_50 = arith.constant 0 : index
    %swap3A_51 = vector.load %arg8[%swap3A_49, %swap3A_50] : memref<1000x128xf32, #tpu.memory_space<vmem>>, vector<1000x128xf32>
    tpu.vector_store %arg8[%swap3A_49, %swap3A_50], %dot_general3A_48 {strides = array<i32>} : memref<1000x128xf32, #tpu.memory_space<vmem>>, vector<1000x128xf32>,
    return
  }
  func.func @transform_0(%arg0: i32) -> (i32, i32, i32) {
    %c0_i32 = arith.constant 0 : i32
    %c0_i32_0 = arith.constant 0 : i32
    %c0_i32_1 = arith.constant 0 : i32
    return %c0_i32, %arg0, %c0_i32_0 : i32, i32, i32
  }
  func.func @transform_1(%arg0: i32) -> (i32, i32, i32) {
    %c0_i32 = arith.constant 0 : i32
    %c0_i32_0 = arith.constant 0 : i32
    %c0_i32_1 = arith.constant 0 : i32
    return %c0_i32, %arg0, %c0_i32_0 : i32, i32, i32
  }
  func.func @transform_2(%arg0: i32) -> (i32, i32) {
    %c0_i32 = arith.constant 0 : i32
    %c0_i32_0 = arith.constant 0 : i32
    return %arg0, %c0_i32 : i32, i32
  }
  func.func @transform_3(%arg0: i32) -> (i32, i32) {
    %c0_i32 = arith.constant 0 : i32
    %c0_i32_0 = arith.constant 0 : i32
    %c0_i32_1 = arith.constant 0 : i32
    return %c0_i32, %c0_i32_0 : i32, i32
  }
  func.func @transform_4(%arg0: i32) -> (i32, i32) {
    %c0_i32 = arith.constant 0 : i32
    %c0_i32_0 = arith.constant 0 : i32
    %c0_i32_1 = arith.constant 0 : i32
    return %c0_i32, %c0_i32_0 : i32, i32
  }
  func.func @transform_5(%arg0: i32) -> (i32, i32) {
    %c0_i32 = arith.constant 0 : i32
    %c0_i32_0 = arith.constant 0 : i32
    %c0_i32_1 = arith.constant 0 : i32
    return %c0_i32, %c0_i32_0 : i32, i32
  }
  func.func @transform_6(%arg0: i32) -> (i32, i32) {
    %c0_i32 = arith.constant 0 : i32
    %c0_i32_0 = arith.constant 0 : i32
    return %arg0, %c0_i32 : i32, i32
  }
  func.func @transform_7(%arg0: i32) -> (i32, i32) {
    %c0_i32 = arith.constant 0 : i32
    %c0_i32_0 = arith.constant 0 : i32
    return %arg0, %c0_i32 : i32, i32
  }
}

</mosaic_0001>

<sc_bundles>
// kernel: kernel.10.cloned.1.call-start
scs
__scs_entry_jumppad:
0x0: {  	(pc) =	sbr.rel $0x88, $3  }
0x1: {  	(tag) =	ssettag $0x0;
	lr =	simm.s32 $0x1  }
0x2: {  	[smem:$0x3F9A] =	sst lr;
	_ =	strace $0xD0000000  }
0x3: {  	_ = 	snop  }
0x4: {  	_ = 	snop  }
0x5: {  	_ = 	snop  }
0x6: {  	_ = 	snop  }
0x7: {  	_ = 	snop  }
__scs_overlays_trampoline_lowered:
0x8: {  	[smem:$0x3FA9] =	sst s0  }
0x9: {  	[smem:$0x3FAA] =	sst s1  }
0xa: {  	[smem:$0x3FAB] =	sst s2  }
0xb: {  	[smem:$0x3FAC] =	sst s3  }
0xc: {  	[smem:$0x3FAD] =	sst s4  }
0xd: {  	[smem:$0x3FAE] =	sst s5  }
0xe: {  	[smem:$0x3FAF] =	sst s6  }
0xf: {  	[smem:$0x3FB0] =	sst s7  }
0x10: {  	[smem:$0x3FB1] =	sst s8  }
0x11: {  	[smem:$0x3FB2] =	sst s9;
	s0 =	simm.s32 @!p0 $0x0  }
0x12: {  	s1 =	sld [smem:$0x3F98];
	s0 =	simm.s32 @p0 $0x1  }
0x13: {  	[smem:$0x3FB3] =	sst s0;
	s0 =	simm.s32 @!p1 $0x0  }
0x14: {  	s2 =	sld [smem:$0x3F97];
	s0 =	simm.s32 @p1 $0x1  }
0x15: {  	[smem:$0x3FB4] =	sst s0;
	s0 =	simm.s32 @!p2 $0x0  }
0x16: {  	s3 =	sld [smem:$0x3FDB];
	s0 =	simm.s32 @p2 $0x1  }
0x17: {  	s4 =	simm.s32 $0x1BF5;
	[smem:$0x3FB6] =	sst s0  }
0x18: {  	s0 =	sld [smem:$0x3F99];
	_ =	swait.ge [sflag:s4], $0x0  }
0x19: {  	s7 =	sld [smem:$0x3F9A]  }
0x1a: {  	s8 =	sadd.s32 $0xFFFFE003, lr  }
0x1b: {  	s9 =	sadd.s32 $0xFFFFFEF7, lr;
	s5 =	simm.s32 $0xFFFFFFFF;
	p2 =	slt.u32 s8, $0xFFFFF086  }
0x1c: {  	p1 =	slt.u32 s9, $0xF7A;
	s5 =	simm.s32 @!p2 $0x0  }
0x1d: {  	s5 =	simm.s32 @p1 $0x1;
	p0 =	seq.s32 s7, s2  }
0x1e: {  	s7 =	smul.u32 @!p0 $0xF7A, s2;
	p2 =	seq.s32 @!p0 s5, $0x0  }
0x1f: {  	s9 =	smul.u32 $0xF7A, s1;
	s8 =	simm.s32 @!p0 $0x1BF5;
	p2 =	por !p2, p0  }
0x20: {  	[sflag:s8] =	ssyncset.s32 @!p0 $0xFFFFF086;
	s6 =	sadd.s32 @!p0 s3, s7;
	s7 =	simm.s32 @!p0 $0x108  }
0x21: {  	s3 =	sadd.s32 s3, s9;
	s6 =	sadd.s32 @!p0 $0x88, s6;
	s7 =	simm.s32 @p2 $0x1082  }
0x22: {  	[simem:s7], [sflag:s8] =	dma.local @!p0 [hbm:s6], $0xF7A  }
0x23: {  	s9 =	sor.u32 $0xD0000000, s2;
	s6 =	simm.s32 $0x108;
	_ =	swait.ge @!p0 [sflag:s8], $0x0  }
0x24: {  	s3 =	sadd.s32 $0x88, s3;
	s6 =	simm.s32 @!p1 $0x1082;
	[sflag:s4] =	ssyncset.s32 $0xFFFFF086  }
0x25: {  	[simem:s6], [sflag:s4] =	dma.local [hbm:s3], $0xF7A  }
0x26: {  	[smem:$0x3F9A] =	sst s1;
	(tag) =	ssettag s2;
	_ =	strace s9  }
0x27: {  	s1 =	sld [smem:$0x3FAA]  }
0x28: {  	s2 =	sld [smem:$0x3FAB]  }
0x29: {  	s4 =	sld [smem:$0x3FAD]  }
0x2a: {  	p0 =	seq.s32 s5, $0x0;
	s5 =	sld [smem:$0x3FAE]  }
0x2b: {  	s6 =	sld [smem:$0x3FAF]  }
0x2c: {  	s7 =	sld [smem:$0x3FB0]  }
0x2d: {  	s3 =	simm.s32 $0x108;
	s8 =	sld [smem:$0x3FB1]  }
0x2e: {  	s3 =	simm.s32 @!p0 $0x1082;
	s9 =	sld [smem:$0x3FB2]  }
0x2f: {  	lr =	sadd.s32 s0, s3;
	s0 =	sld [smem:$0x3FA9]  }
0x30: {  	s3 =	sld [smem:$0x3FAC]  }
0x31: {  	[smem:$0x3FB5] =	sst s10  }
0x32: {  	s10 =	sld [smem:$0x3FB3];
	_ =	sdelay $0x3  }
0x33: {  	p0 =	seq.s32 s10, $0x1;
	s10 =	sld [smem:$0x3FB5];
	_ =	sdelay $0x3  }
0x34: {  	[smem:$0x3FB5] =	sst s10  }
0x35: {  	s10 =	sld [smem:$0x3FB4];
	_ =	sdelay $0x3  }
0x36: {  	p1 =	seq.s32 s10, $0x1;
	s10 =	sld [smem:$0x3FB5];
	_ =	sdelay $0x3  }
0x37: {  	[smem:$0x3FB5] =	sst s10  }
0x38: {  	s10 =	sld [smem:$0x3FB6]  }
0x39: {  	_ = 	snop;
	(pc) =	sbr.ind lr, $3  }
0x3a: {  	_ = 	snop  }
0x3b: {  	_ = 	snop  }
0x3c: {  	p2 =	seq.s32 s10, $0x1;
	s10 =	sld [smem:$0x3FB5]  }
0x3d: {  	_ =	shalt  }
0x3e: {  	_ =	shalt  }
0x3f: {  	_ =	shalt  }
0x40: {  	_ =	shalt  }
0x41: {  	_ =	shalt  }
0x42: {  	_ =	shalt  }
0x43: {  	_ =	shalt  }
0x44: {  	_ =	shalt  }
0x45: {  	_ =	shalt  }
0x46: {  	_ =	shalt  }
0x47: {  	_ =	shalt  }
0x48: {  	_ =	shalt  }
0x49: {  	_ =	shalt  }
0x4a: {  	_ =	shalt  }
0x4b: {  	_ =	shalt  }
0x4c: {  	_ =	shalt  }
0x4d: {  	_ =	shalt  }
0x4e: {  	_ =	shalt  }
0x4f: {  	_ =	shalt  }
0x50: {  	_ =	shalt  }
0x51: {  	_ =	shalt  }
0x52: {  	_ =	shalt  }
0x53: {  	_ =	shalt  }
0x54: {  	_ =	shalt  }
0x55: {  	_ =	shalt  }
0x56: {  	_ =	shalt  }
0x57: {  	_ =	shalt  }
0x58: {  	_ =	shalt  }
0x59: {  	_ =	shalt  }
0x5a: {  	_ =	shalt  }
0x5b: {  	_ =	shalt  }
0x5c: {  	_ =	shalt  }
0x5d: {  	_ =	shalt  }
0x5e: {  	_ =	shalt  }
0x5f: {  	_ =	shalt  }
0x60: {  	_ =	shalt  }
0x61: {  	_ =	shalt  }
0x62: {  	_ =	shalt  }
0x63: {  	_ =	shalt  }
0x64: {  	_ =	shalt  }
0x65: {  	_ =	shalt  }
0x66: {  	_ =	shalt  }
0x67: {  	_ =	shalt  }
0x68: {  	_ =	shalt  }
0x69: {  	_ =	shalt  }
0x6a: {  	_ =	shalt  }
0x6b: {  	_ =	shalt  }
0x6c: {  	_ =	shalt  }
0x6d: {  	_ =	shalt  }
0x6e: {  	_ =	shalt  }
0x6f: {  	_ =	shalt  }
0x70: {  	_ =	shalt  }
0x71: {  	_ =	shalt  }
0x72: {  	_ =	shalt  }
0x73: {  	_ =	shalt  }
0x74: {  	_ =	shalt  }
0x75: {  	_ =	shalt  }
0x76: {  	_ =	shalt  }
0x77: {  	_ =	shalt  }
0x78: {  	_ =	shalt  }
0x79: {  	_ =	shalt  }
0x7a: {  	_ =	shalt  }
0x7b: {  	_ =	shalt  }
0x7c: {  	_ =	shalt  }
0x7d: {  	_ =	shalt  }
0x7e: {  	_ =	shalt  }
0x7f: {  	_ =	shalt  }
0x80: {  	_ =	shalt  }
0x81: {  	_ =	shalt  }
0x82: {  	_ =	shalt  }
0x83: {  	_ =	shalt  }
0x84: {  	_ =	shalt  }
0x85: {  	_ =	shalt  }
0x86: {  	_ =	shalt  }
0x87: {  	_ =	shalt  }
.Lfunc_end0:
.L_simem_size_0:
called_computation.1_lowered:
.L_overlay_start_0:
0x88: {  	s2 =	sld [smem:$0x3FD9]  }
0x89: {  	s3 =	sld [smem:$0x3FFE];
	_ =	sdelay $0x1  }
0x8a: {  	s1 =	srdreg.scid  }
0x8b: {  	s0 =	sand.u32 $0x1, s1  }
0x8c: {  	s17 =	sshll.u32 s0, $0xA;
	s2 =	sadd.s32 s3, s2  }
0x8d: {  	s2 =	sadd.s32 s2, s17  }
0x8e: {  	[smem:$0x3FC1] =	sst s2  }
0x8f: {  	_ = 	snop  }
0x90: {  	s2 =	sld [smem:$0x3FD0];
	(tm) =	ssettm $0x1  }
0x91: {  	s18 =	sld [smem:$0x3FFB];
	_ =	sdelay $0x3  }
0x92: {  	_ =	strace s18  }
0x93: {  	s3 =	sld [smem:$0x3FFC];
	_ =	sdelay $0x3  }
0x94: {  	_ =	strace s3  }
0x95: {  	s3 =	sld [smem:$0x3FFD];
	_ =	sdelay $0x3  }
0x96: {  	_ =	strace s3  }
0x97: {  	_ =	strace $0x8FFFFFFF  }
0x98: {  	s19 =	sld [smem:$0x3FDB];
	_ =	sdelay $0x1  }
0x99: {  	s4 =	simm.s32 $_scs_section_size  }
0x9a: {  	s5 =	simm.s32 $_size__tile_overlayer_lowered;
	s6 =	simm.s32 $_tile_overlayer_lowered  }
0x9b: {  	s22 =	simm.s32 $0x1BFF;
	s21 =	sshll.u32 s6, $0x1;
	s3 =	sadd.s32 s4, s19  }
0x9c: {  	s7 =	simm.s32 $0x0;
	s20 =	sshll.u32 s5, $0x1;
	s5 =	sadd.s32 s21, s3  }
0x9d: {  	[timem:s7], [sflag:s22] =	dma.local [hbm:s5], s20  }
0x9e: {  	_ =	swait.ge [sflag:s22], s20  }
0x9f: {  	s4 =	ssub.s32 $0x0, s20;
	[sflag:s22] =	ssyncset.done $0x0  }
0xa0: {  	[sflag:s22] =	ssyncadd.s32 s4;
	_ =	sdelay $0x1  }
0xa1: {  	s23 =	simm.s32 $0x1B8B  }
0xa2: {  	_ =	swait.ge [sflag:s23], $0x1  }
0xa3: {  	[sflag:s23] =	ssyncset.done $0x0  }
0xa4: {  	s25 =	simm.s32 $0x1B8E;
	s24 =	sld [smem:$0x3FFE];
	[sflag:s23] =	ssyncadd.s32 $0xFFFFFFFF  }
0xa5: {  	s26 =	simm.s32 $execute0_lowered;
	[smem:$0x3FD2] =	sst s25  }
0xa6: {  	s5 =	sshll.u32 s26, $0x1;
	_ =	strace $0x80000049;
	[dreg:$0x1] =	wrdreg $0xFFFFFFFF  }
0xa7: {  	s28 =	simm.s32 $_size_execute0_lowered;
	s3 =	sadd.s32 s3, s5;
	[dreg:$0x0] =	wrdreg $0x0  }
0xa8: {  	s5 =	sshll.u32 s28, $0x1;
	[dreg:$0x2] =	wrdreg s3  }
0xa9: {  	[dreg:$0x3] =	wrdreg s5  }
0xaa: {  	[dreg:$0x4] =	wrdreg $0xC0  }
0xab: {  	_ =	task [dreg:s7], $0x5FFFF  }
0xac: {  	[dreg:$0x1] =	wrdreg $0xFFFFFFFF  }
0xad: {  	[dreg:$0x0] =	wrdreg $0x60  }
0xae: {  	[dreg:$0x2] =	wrdreg s24  }
0xaf: {  	[dreg:$0x3] =	wrdreg s2  }
0xb0: {  	[dreg:$0x4] =	wrdreg $0xA8000  }
0xb1: {  	[dreg:$0x5] =	wrdreg $0x9  }
0xb2: {  	_ =	task.clear_ibuf [dreg:s7], $0x6FFFF;
	_ =	strace $0x90000049  }
0xb3: {  	s29 =	simm.s32 $0x9;
	_ =	strace $0x8000004B  }
0xb4: {  	_ =	swait.ge [sflag:s29], $0x1  }
0xb5: {  	[sflag:s29] =	ssyncadd.s32 $0xFFFFFFFF  }
0xb6: {  	_ =	strace $0x9000004B  }
0xb7: {  	_ =	sfence  }
0xb8: {  	s30 =	sld [smem:$0x0];
	_ =	sdelay $0x2  }
0xb9: {  	s31 =	sshll.u32 s1, $0xD;
	s1 =	sshrl.u32 s1, $0x2  }
0xba: {  	s3 =	sand.u32 $0x4000, s31;
	s1 =	sadd.s32 s1, s30  }
0xbb: {  	s0 =	sor.u32 s3, s0;
	s1 =	sshll.u32 s1, $0x11  }
0xbc: {  	s0 =	sor.u32 s1, s0  }
0xbd: {  	s0 =	sadd.s32 $0x8F2B, s0  }
0xbe: {  	[sflag:s0] =	ssyncadd.remote.s32 $0x1  }
0xbf: {  	_ =	sfence.sel $0xFFFF  }
0xc0: {  	[dreg:$0x0] =	wrdreg $0xFFFFFFFF;
	(pc) =	sbr.abs _section_cstart, $3  }
0xc1: {  	[dreg:$0x1] =	wrdreg $0xFFFFFFFF  }
0xc2: {  	_ =	task.clear_ibuf [dreg:s7], $0x2FFFF;
	_ =	strace $0x9FFFFFFF  }
0xc3: {  	(tm) =	ssettm $0x7FFFFFFF  }
tec
execute0_lowered:
.L_overlay_start_1:
0x0: {  	(tag) =	ssettag $0x1  }
0x1: {  	s4 =	rddreg [dreg:$0x0]  }
0x2: {  	s11 =	rddreg [dreg:$0x1]  }
0x3: {  	s1 =	rddreg [dreg:$0x2];
	s2 =	simm.s32 $0x0;
	s3 =	srdreg.scid  }
0x4: {  	s14 =	stileid.u32;
	s19 =	simm.s32 $0x2800;
	s20 =	simm.s32 $0x6800  }
0x5: {  	s21 =	simm.s32 $0x1;
	s22 =	simm.s32 $0x2;
	s23 =	simm.s32 $0x1380  }
0x6: {  	s24 =	simm.s32 $0x2700;
	s25 =	simm.s32 $0x2780;
	s26 =	simm.s32 $0x0  }
0x7: {  	[smem:$0x7FF] =	sst s2;
	s9 =	sadd.s32 $0x81200, s4;
	s10 =	sadd.s32 $0x1E00, s4  }
0x8: {  	s7 =	sand.u32 $0x1, s3;
	s3 =	sadd.s32 $0x8B200, s4;
	s6 =	smul.u32 $0x4E000, s14  }
0x9: {  	s12 =	sshll.u32 s14, $0x1;
	s13 =	smul.u32 $0x13800, s14;
	s4 =	sadd.s32 $0xBE00, s4  }
0xa: {  	s31 =	sshll.u32 s14, $0x6;
	s18 =	sadd.s32 $0x138000, s1;
	p0 =	sne.s32 s14, $0x0  }
0xb: {  	_ =	strace $0x8000004A;
	s5 =	ssub.s32 $0x2, s7;
	s29 =	sor.u32 s7, s12  }
0xc: {  	s17 =	smul.u32 $0x138800, s7;
	s8 =	sshrl.u32 s5, $0x1;
	s6 =	sshrl.u32 s6, $0x2  }
0xd: {  	s30 =	sshrl.u32 s13, $0x3;
	s12 =	smul.u32 $0x2800, s29;
	s15 =	ssub.s32 s5, s8  }
0xe: {  	s16 =	sadd.s32 s6, s1;
	s5 =	sadd.s32 s4, s30;
	s6 =	sor.u32 $0x1C03, s31  }
0xf: {  	s13 =	sadd.s32 s13, s17;
	s17 =	sshrl.u32 s17, $0x3;
	s12 =	sshrl.u32 s12, $0x3  }
0x10: {  	s13 =	sshrl.u32 s13, $0x3;
	s17 =	sadd.s32 s11, s17;
	s14 =	sshrl.u32 s16, $0x3  }
0x11: {  	s16 =	sshrl.u32 @!p0 s18, $0x3;
	s18 =	simm.s32 $0x80;
	s7 =	sadd.s32 s9, s12  }
0x12: {  	s8 =	sadd.s32 s10, s12;
	s12 =	sadd.s32 $0x280, s12;
	s11 =	sadd.s32 s11, s13  }
0x13: {  	s13 =	smax.u32 s15, $0x1;
	s15 =	simm.s32 $0x3;
	s9 =	sadd.s32 s9, s12  }
0x14: {  	s10 =	sadd.s32 s10, s12;
	s12 =	sadd.s32 $0x27000, s17;
	s17 =	simm.s32 $0x1400  }
.LBB2_1:
0x15: {  	[spmem:s14], [sflag:s6] =	dma.local [hbm:s5], $0x2700  }
0x16: {  	_ =	swait.ge [sflag:s15], $0x2700  }
0x17: {  	[sflag:s15] =	ssyncset.done $0x0  }
0x18: {  	s28 =	simm.s32 @!p0 $0x3;
	[sflag:s15] =	ssyncadd.s32 $0xFFFFD900  }
0x19: {  	[spmem:s16], [sflag:s6] =	dma.local @!p0 [hbm:s4], $0x900  }
0x1a: {  	_ =	swait.ge @!p0 [sflag:s28], $0x900  }
0x1b: {  	[sflag:s28] =	ssyncset.done @!p0 $0x0  }
0x1c: {  	[sflag:s28] =	ssyncadd.s32 @!p0 $0xFFFFF700  }
0x1d: {  	[bflag:$0x0] =	sbarrier.arrive $0xFFFF  }
0x1e: {  	[tilespmem:s2], [sflag:$0x3] =	stream.linear.gather [hbm4b:s7+s2], $0x1400, $0x38;
	[tilespmem:$0x1E480] =	vst v63  }
0x1f: {  	_ =	swait.ge [sflag:s15], $0x1400  }
0x20: {  	[sflag:s15] =	ssyncset.done $0x0  }
0x21: {  	[sflag:s15] =	ssyncadd.s32 $0xFFFFEC00  }
0x22: {  	[tilespmem:s17], [sflag:$0x3] =	stream.linear.gather [hbm4b:s8+s2], $0x1400, $0x38;
	[tilespmem:$0x1E480] =	vst v63  }
0x23: {  	_ =	swait.ge [sflag:s15], $0x1400  }
0x24: {  	[sflag:s15] =	ssyncset.done $0x0  }
0x25: {  	[sflag:s15] =	ssyncadd.s32 $0xFFFFEC00  }
0x26: {  	[tilespmem:s19], [sflag:$0x1] =	stream.indirect.gather [hbm4b:s3+s18], $0x80, s2, s18, $0xb8;
	[tilespmem:$0x1E480] =	vst v63  }
0x27: {  	s28 =	simm.s32 $0x80  }
0x28: {  	[tilespmem:s20], [sflag:$0x2] =	stream.indirect.gather [hbm4b:s3+s18], $0x80, s28, s18, $0xb8;
	[tilespmem:$0x1E480] =	vst v63  }
0x29: {  	_ =	swait.ge [sflag:s21], $0x4000  }
0x2a: {  	[sflag:s21] =	ssyncset.done $0x0  }
0x2b: {  	s28 =	simm.s32 $0x1400;
	[sflag:s21] =	ssyncadd.s32 $0xFFFFC000  }
0x2c: {  	[spmem:s1] =	stream.indirect.scatter.add.f32 [tilespmem:s19], [sflag:$0x3], $0x80, s28, s18, $0xb8;
	[tilespmem:$0x1E480] =	vst v63  }
0x2d: {  	_ =	swait.ge [sflag:s15], $0x4000  }
0x2e: {  	[sflag:s15] =	ssyncset.done $0x0  }
0x2f: {  	s28 =	simm.s32 $0x100;
	[sflag:s15] =	ssyncadd.s32 $0xFFFFC000  }
0x30: {  	[tilespmem:s19], [sflag:$0x1] =	stream.indirect.gather [hbm4b:s3+s18], $0x80, s28, s18, $0xb8;
	[tilespmem:$0x1E480] =	vst v63  }
0x31: {  	_ =	swait.ge [sflag:s22], $0x4000  }
0x32: {  	[sflag:s22] =	ssyncset.done $0x0  }
0x33: {  	s28 =	simm.s32 $0x1480;
	[sflag:s22] =	ssyncadd.s32 $0xFFFFC000  }
0x34: {  	[spmem:s1] =	stream.indirect.scatter.add.f32 [tilespmem:s20], [sflag:$0x3], $0x80, s28, s18, $0xb8;
	[tilespmem:$0x1E480] =	vst v63  }
0x35: {  	_ =	swait.ge [sflag:s15], $0x4000  }
0x36: {  	s29 =	simm.s32 $0x800;
	s28 =	simm.s32 $0x100;
	[sflag:s15] =	ssyncset.done $0x0  }
.LBB2_2:
0x37: {  	s30 =	sadd.s32 $0x80, s28  }
0x38: {  	[sflag:s15] =	ssyncadd.s32 $0xFFFFC000;
	s31 =	smov.u32 s29;
	s0 =	sadd.s32 $0x400, s29  }
0x39: {  	[tilespmem:s20], [sflag:$0x2] =	stream.indirect.gather [hbm4b:s3+s18], $0x80, s30, s18, $0xb8;
	[tilespmem:$0x1E480] =	vst v63  }
0x3a: {  	p1 =	sne.s32 s29, $0x4800;
	_ =	swait.ge [sflag:s21], $0x4000  }
0x3b: {  	[sflag:s21] =	ssyncset.done $0x0  }
0x3c: {  	s29 =	sadd.s32 $0x1400, s28;
	[sflag:s21] =	ssyncadd.s32 $0xFFFFC000  }
0x3d: {  	[spmem:s1] =	stream.indirect.scatter.add.f32 [tilespmem:s19], [sflag:$0x3], $0x80, s29, s18, $0xb8;
	[tilespmem:$0x1E480] =	vst v63  }
0x3e: {  	_ =	swait.ge [sflag:s15], $0x4000  }
0x3f: {  	[sflag:s15] =	ssyncset.done $0x0  }
0x40: {  	s29 =	sadd.s32 $0x100, s28;
	[sflag:s15] =	ssyncadd.s32 $0xFFFFC000  }
0x41: {  	[tilespmem:s19], [sflag:$0x1] =	stream.indirect.gather [hbm4b:s3+s18], $0x80, s29, s18, $0xb8;
	[tilespmem:$0x1E480] =	vst v63  }
0x42: {  	_ =	swait.ge [sflag:s22], $0x4000  }
.Ltmp0:
0x43: {  	[sflag:s22] =	ssyncset.done $0x0;
	(pc) =	sbr.rel @p1 .LBB2_2-.Ltmp0, $4  }
0x44: {  	s28 =	sadd.s32 $0x1480, s28;
	[sflag:s22] =	ssyncadd.s32 $0xFFFFC000  }
0x45: {  	[spmem:s1] =	stream.indirect.scatter.add.f32 [tilespmem:s20], [sflag:$0x3], $0x80, s28, s18, $0xb8;
	[tilespmem:$0x1E480] =	vst v63  }
0x46: {  	_ =	swait.ge [sflag:s15], $0x4000  }
0x47: {  	s29 =	smov.u32 s0;
	s28 =	sshra.s32 s31, $0x2;
	[sflag:s15] =	ssyncset.done $0x0  }
0x48: {  	s0 =	sadd.s32 $0x80, s28;
	[sflag:s15] =	ssyncadd.s32 $0xFFFFC000  }
0x49: {  	[tilespmem:s20], [sflag:$0x2] =	stream.indirect.gather [hbm4b:s3+s18], $0x80, s0, s18, $0xb8;
	[tilespmem:$0x1E480] =	vst v63  }
0x4a: {  	_ =	swait.ge [sflag:s21], $0x4000  }
0x4b: {  	[sflag:s21] =	ssyncset.done $0x0  }
0x4c: {  	s30 =	sadd.s32 $0x1400, s28;
	[sflag:s21] =	ssyncadd.s32 $0xFFFFC000  }
0x4d: {  	[spmem:s1] =	stream.indirect.scatter.add.f32 [tilespmem:s19], [sflag:$0x3], $0x80, s30, s18, $0xb8;
	[tilespmem:$0x1E480] =	vst v63  }
0x4e: {  	_ =	swait.ge [sflag:s15], $0x4000  }
0x4f: {  	[sflag:s15] =	ssyncset.done $0x0  }
0x50: {  	s31 =	sadd.s32 $0x100, s28;
	[sflag:s15] =	ssyncadd.s32 $0xFFFFC000  }
0x51: {  	[tilespmem:s19], [sflag:$0x1] =	stream.indirect.gather [hbm4b:s3+s18], $0x80, s31, s18, $0xb8;
	[tilespmem:$0x1E480] =	vst v63  }
0x52: {  	_ =	swait.ge [sflag:s22], $0x4000  }
0x53: {  	[sflag:s22] =	ssyncset.done $0x0  }
0x54: {  	s30 =	sadd.s32 $0x1480, s28;
	[sflag:s22] =	ssyncadd.s32 $0xFFFFC000  }
0x55: {  	[spmem:s1] =	stream.indirect.scatter.add.f32 [tilespmem:s20], [sflag:$0x3], $0x80, s30, s18, $0xb8;
	[tilespmem:$0x1E480] =	vst v63  }
0x56: {  	_ =	swait.ge [sflag:s15], $0x4000  }
0x57: {  	[sflag:s15] =	ssyncset.done $0x0  }
0x58: {  	[sflag:s15] =	ssyncadd.s32 $0xFFFFC000  }
0x59: {  	[tilespmem:s20], [sflag:$0x2] =	stream.indirect.gather [hbm4b:s3+s18], $0x80, s23, s18, $0xb8;
	[tilespmem:$0x1E480] =	vst v63  }
0x5a: {  	_ =	swait.ge [sflag:s21], $0x4000  }
0x5b: {  	[sflag:s21] =	ssyncset.done $0x0  }
0x5c: {  	[sflag:s21] =	ssyncadd.s32 $0xFFFFC000  }
0x5d: {  	[spmem:s1] =	stream.indirect.scatter.add.f32 [tilespmem:s19], [sflag:$0x3], $0x80, s24, s18, $0xb8;
	[tilespmem:$0x1E480] =	vst v63  }
0x5e: {  	_ =	swait.ge [sflag:s15], $0x4000  }
0x5f: {  	[sflag:s15] =	ssyncset.done $0x0  }
0x60: {  	[sflag:s15] =	ssyncadd.s32 $0xFFFFC000  }
0x61: {  	_ =	swait.ge [sflag:s22], $0x4000  }
0x62: {  	[sflag:s22] =	ssyncset.done $0x0  }
0x63: {  	[sflag:s22] =	ssyncadd.s32 $0xFFFFC000  }
0x64: {  	[spmem:s1] =	stream.indirect.scatter.add.f32 [tilespmem:s20], [sflag:$0x3], $0x80, s25, s18, $0xb8;
	[tilespmem:$0x1E480] =	vst v63  }
0x65: {  	_ =	swait.ge [sflag:s15], $0x4000  }
0x66: {  	[sflag:s15] =	ssyncset.done $0x0  }
0x67: {  	s31 =	simm.s32 $0x0;
	[sflag:s15] =	ssyncadd.s32 $0xFFFFC000  }
0x68: {  	[tilespmem:s31], [sflag:$0x3] =	stream.linear.gather [hbm4b:s9+s31], $0x1400, $0x38;
	[tilespmem:$0x1E480] =	vst v63  }
0x69: {  	_ =	swait.ge [sflag:s15], $0x1400  }
0x6a: {  	[sflag:s15] =	ssyncset.done $0x0  }
0x6b: {  	[sflag:s15] =	ssyncadd.s32 $0xFFFFEC00  }
0x6c: {  	[tilespmem:s17], [sflag:$0x3] =	stream.linear.gather [hbm4b:s10+s31], $0x1400, $0x38;
	[tilespmem:$0x1E480] =	vst v63  }
0x6d: {  	_ =	swait.ge [sflag:s15], $0x1400  }
0x6e: {  	[sflag:s15] =	ssyncset.done $0x0  }
0x6f: {  	[sflag:s15] =	ssyncadd.s32 $0xFFFFEC00  }
0x70: {  	[tilespmem:s19], [sflag:$0x1] =	stream.indirect.gather [hbm4b:s3+s18], $0x80, s31, s18, $0xb8;
	[tilespmem:$0x1E480] =	vst v63  }
0x71: {  	s30 =	simm.s32 $0x80  }
0x72: {  	[tilespmem:s20], [sflag:$0x2] =	stream.indirect.gather [hbm4b:s3+s18], $0x80, s30, s18, $0xb8;
	[tilespmem:$0x1E480] =	vst v63  }
0x73: {  	_ =	swait.ge [sflag:s21], $0x4000  }
0x74: {  	[sflag:s21] =	ssyncset.done $0x0  }
0x75: {  	s31 =	simm.s32 $0x1400;
	[sflag:s21] =	ssyncadd.s32 $0xFFFFC000  }
0x76: {  	[spmem:s1] =	stream.indirect.scatter.add.f32 [tilespmem:s19], [sflag:$0x3], $0x80, s31, s18, $0xb8;
	[tilespmem:$0x1E480] =	vst v63  }
0x77: {  	_ =	swait.ge [sflag:s15], $0x4000  }
0x78: {  	[sflag:s15] =	ssyncset.done $0x0  }
0x79: {  	s30 =	simm.s32 $0x100;
	[sflag:s15] =	ssyncadd.s32 $0xFFFFC000  }
0x7a: {  	[tilespmem:s19], [sflag:$0x1] =	stream.indirect.gather [hbm4b:s3+s18], $0x80, s30, s18, $0xb8;
	[tilespmem:$0x1E480] =	vst v63  }
0x7b: {  	_ =	swait.ge [sflag:s22], $0x4000  }
0x7c: {  	[sflag:s22] =	ssyncset.done $0x0  }
0x7d: {  	s31 =	simm.s32 $0x1480;
	[sflag:s22] =	ssyncadd.s32 $0xFFFFC000  }
0x7e: {  	[spmem:s1] =	stream.indirect.scatter.add.f32 [tilespmem:s20], [sflag:$0x3], $0x80, s31, s18, $0xb8;
	[tilespmem:$0x1E480] =	vst v63  }
0x7f: {  	_ =	swait.ge [sflag:s15], $0x4000  }
0x80: {  	s29 =	simm.s32 $0x800;
	s28 =	simm.s32 $0x100;
	[sflag:s15] =	ssyncset.done $0x0  }
.LBB2_4:
0x81: {  	s0 =	sadd.s32 $0x80, s28  }
0x82: {  	[sflag:s15] =	ssyncadd.s32 $0xFFFFC000;
	s30 =	smov.u32 s29;
	s31 =	sadd.s32 $0x400, s29  }
0x83: {  	[tilespmem:s20], [sflag:$0x2] =	stream.indirect.gather [hbm4b:s3+s18], $0x80, s0, s18, $0xb8;
	[tilespmem:$0x1E480] =	vst v63  }
0x84: {  	p1 =	sne.s32 s29, $0x4800;
	_ =	swait.ge [sflag:s21], $0x4000  }
0x85: {  	[sflag:s21] =	ssyncset.done $0x0  }
0x86: {  	s0 =	sadd.s32 $0x1400, s28;
	[sflag:s21] =	ssyncadd.s32 $0xFFFFC000  }
0x87: {  	[spmem:s1] =	stream.indirect.scatter.add.f32 [tilespmem:s19], [sflag:$0x3], $0x80, s0, s18, $0xb8;
	[tilespmem:$0x1E480] =	vst v63  }
0x88: {  	_ =	swait.ge [sflag:s15], $0x4000  }
0x89: {  	[sflag:s15] =	ssyncset.done $0x0  }
0x8a: {  	s0 =	sadd.s32 $0x100, s28;
	[sflag:s15] =	ssyncadd.s32 $0xFFFFC000  }
0x8b: {  	[tilespmem:s19], [sflag:$0x1] =	stream.indirect.gather [hbm4b:s3+s18], $0x80, s0, s18, $0xb8;
	[tilespmem:$0x1E480] =	vst v63  }
0x8c: {  	_ =	swait.ge [sflag:s22], $0x4000  }
.Ltmp1:
0x8d: {  	[sflag:s22] =	ssyncset.done $0x0;
	(pc) =	sbr.rel @p1 .LBB2_4-.Ltmp1, $4  }
0x8e: {  	s0 =	sadd.s32 $0x1480, s28;
	[sflag:s22] =	ssyncadd.s32 $0xFFFFC000  }
0x8f: {  	[spmem:s1] =	stream.indirect.scatter.add.f32 [tilespmem:s20], [sflag:$0x3], $0x80, s0, s18, $0xb8;
	[tilespmem:$0x1E480] =	vst v63  }
0x90: {  	_ =	swait.ge [sflag:s15], $0x4000  }
0x91: {  	s29 =	smov.u32 s31;
	s28 =	sshra.s32 s30, $0x2;
	[sflag:s15] =	ssyncset.done $0x0  }
0x92: {  	s0 =	sadd.s32 $0x80, s28;
	[sflag:s15] =	ssyncadd.s32 $0xFFFFC000  }
0x93: {  	[tilespmem:s20], [sflag:$0x2] =	stream.indirect.gather [hbm4b:s3+s18], $0x80, s0, s18, $0xb8;
	[tilespmem:$0x1E480] =	vst v63  }
0x94: {  	_ =	swait.ge [sflag:s21], $0x4000  }
0x95: {  	[sflag:s21] =	ssyncset.done $0x0  }
0x96: {  	s29 =	sadd.s32 $0x1400, s28;
	[sflag:s21] =	ssyncadd.s32 $0xFFFFC000  }
0x97: {  	[spmem:s1] =	stream.indirect.scatter.add.f32 [tilespmem:s19], [sflag:$0x3], $0x80, s29, s18, $0xb8;
	[tilespmem:$0x1E480] =	vst v63  }
0x98: {  	_ =	swait.ge [sflag:s15], $0x4000  }
0x99: {  	[sflag:s15] =	ssyncset.done $0x0  }
0x9a: {  	s30 =	sadd.s32 $0x100, s28;
	[sflag:s15] =	ssyncadd.s32 $0xFFFFC000  }
0x9b: {  	[tilespmem:s19], [sflag:$0x1] =	stream.indirect.gather [hbm4b:s3+s18], $0x80, s30, s18, $0xb8;
	[tilespmem:$0x1E480] =	vst v63  }
0x9c: {  	_ =	swait.ge [sflag:s22], $0x4000  }
0x9d: {  	[sflag:s22] =	ssyncset.done $0x0  }
0x9e: {  	s31 =	sadd.s32 $0x1480, s28;
	[sflag:s22] =	ssyncadd.s32 $0xFFFFC000  }
0x9f: {  	[spmem:s1] =	stream.indirect.scatter.add.f32 [tilespmem:s20], [sflag:$0x3], $0x80, s31, s18, $0xb8;
	[tilespmem:$0x1E480] =	vst v63  }
0xa0: {  	_ =	swait.ge [sflag:s15], $0x4000  }
0xa1: {  	[sflag:s15] =	ssyncset.done $0x0  }
0xa2: {  	[sflag:s15] =	ssyncadd.s32 $0xFFFFC000  }
0xa3: {  	[tilespmem:s20], [sflag:$0x2] =	stream.indirect.gather [hbm4b:s3+s18], $0x80, s23, s18, $0xb8;
	[tilespmem:$0x1E480] =	vst v63  }
0xa4: {  	_ =	swait.ge [sflag:s21], $0x4000  }
0xa5: {  	[sflag:s21] =	ssyncset.done $0x0  }
0xa6: {  	[sflag:s21] =	ssyncadd.s32 $0xFFFFC000  }
0xa7: {  	[spmem:s1] =	stream.indirect.scatter.add.f32 [tilespmem:s19], [sflag:$0x3], $0x80, s24, s18, $0xb8;
	[tilespmem:$0x1E480] =	vst v63  }
0xa8: {  	_ =	swait.ge [sflag:s15], $0x4000  }
0xa9: {  	[sflag:s15] =	ssyncset.done $0x0  }
0xaa: {  	[sflag:s15] =	ssyncadd.s32 $0xFFFFC000  }
0xab: {  	_ =	swait.ge [sflag:s22], $0x4000  }
0xac: {  	[sflag:s22] =	ssyncset.done $0x0  }
0xad: {  	[sflag:s22] =	ssyncadd.s32 $0xFFFFC000  }
0xae: {  	[spmem:s1] =	stream.indirect.scatter.add.f32 [tilespmem:s20], [sflag:$0x3], $0x80, s25, s18, $0xb8;
	[tilespmem:$0x1E480] =	vst v63  }
0xaf: {  	_ =	swait.ge [sflag:s15], $0x4000  }
0xb0: {  	[sflag:s15] =	ssyncset.done $0x0  }
0xb1: {  	[sflag:s15] =	ssyncadd.s32 $0xFFFFC000  }
0xb2: {  	[bflag:$0x0] =	sbarrier.arrive $0xFFFF  }
0xb3: {  	[hbm:s11], [sflag:s6] =	dma.local [spmem:s14], $0x2700  }
0xb4: {  	s26 =	sadd.s32 $0x1, s26;
	_ =	swait.ge [sflag:s15], $0x2700  }
0xb5: {  	p1 =	sne.s32 s26, s13;
	[sflag:s15] =	ssyncset.done $0x0  }
.Ltmp2:
0xb6: {  	s0 =	simm.s32 @!p0 $0x3;
	[sflag:s15] =	ssyncadd.s32 $0xFFFFD900;
	(pc) =	sbr.rel @p1 .LBB2_1-.Ltmp2, $4  }
0xb7: {  	[hbm:s12], [sflag:s6] =	dma.local @!p0 [spmem:s16], $0x100  }
0xb8: {  	_ =	swait.ge @!p0 [sflag:s0], $0x100  }
0xb9: {  	[sflag:s0] =	ssyncset.done @!p0 $0x0  }
0xba: {  	[sflag:s0] =	ssyncadd.s32 @!p0 $0xFFFFFF00  }
0xbb: {  	_ =	sfence.sel $0x180000  }
0xbc: {  	[bflag:$0x0] =	sbarrier.arrive $0xFFFF  }
0xbd: {  	_ =	strace $0x9000004A  }
0xbe: {  	[bflag:$0x2] =	sbarrier.arrive $0xFFFF  }
0xbf: {  	s0 =	rddreg [dreg:$0x3]  }
0xc0: {  	s0 =	sadd.s32 @!p0 $0x100000, s0  }
0xc1: {  	[sflag:s0] =	ssyncadd.tile.s32 @!p0 $0x1;
	_ =	shalt  }
.Lfunc_end2:
_tile_overlayer_lowered:
.L_overlay_start_2:
0xc2: {  	(tag) =	ssettag $0x2  }
0xc3: {  	s0 =	rddreg [dreg:$0x0];
	s2 =	stileid.u32  }
0xc4: {  	s1 =	rddreg [dreg:$0x1];
	p0 =	sne.s32 s2, $0x0  }
0xc5: {  	s3 =	rddreg [dreg:$0x2];
	[bflag:$0x3] =	sbarrier.arrive $0xFFFF;
	s2 =	simm.s32 @!p0 $0x1C03  }
0xc6: {  	[timem:s3], [sflag:s2] =	dma.local @!p0 [hbm:s0], s1  }
0xc7: {  	s0 =	simm.s32 @!p0 $0x3  }
0xc8: {  	_ =	swait.ge @!p0 [sflag:s0], s1  }
0xc9: {  	s1 =	ssub.s32 @!p0 $0x0, s1;
	[sflag:s0] =	ssyncset.done @!p0 $0x0  }
0xca: {  	[sflag:s0] =	ssyncadd.s32 @!p0 s1  }
0xcb: {  	[bflag:$0x3] =	sbarrier.arrive $0xFFFF  }
0xcc: {  	_ =	shalt  }

// kernel: kernel.13.cloned.1.call-start
scs
__scs_entry_jumppad:
0x0: {  	(pc) =	sbr.rel $0x88, $3  }
0x1: {  	(tag) =	ssettag $0x0;
	lr =	simm.s32 $0x1  }
0x2: {  	[smem:$0x3F9A] =	sst lr;
	_ =	strace $0xD0000000  }
0x3: {  	_ = 	snop  }
0x4: {  	_ = 	snop  }
0x5: {  	_ = 	snop  }
0x6: {  	_ = 	snop  }
0x7: {  	_ = 	snop  }
__scs_overlays_trampoline_lowered:
0x8: {  	[smem:$0x3FA9] =	sst s0  }
0x9: {  	[smem:$0x3FAA] =	sst s1  }
0xa: {  	[smem:$0x3FAB] =	sst s2  }
0xb: {  	[smem:$0x3FAC] =	sst s3  }
0xc: {  	[smem:$0x3FAD] =	sst s4  }
0xd: {  	[smem:$0x3FAE] =	sst s5  }
0xe: {  	[smem:$0x3FAF] =	sst s6  }
0xf: {  	[smem:$0x3FB0] =	sst s7  }
0x10: {  	[smem:$0x3FB1] =	sst s8  }
0x11: {  	[smem:$0x3FB2] =	sst s9;
	s0 =	simm.s32 @!p0 $0x0  }
0x12: {  	s1 =	sld [smem:$0x3F98];
	s0 =	simm.s32 @p0 $0x1  }
0x13: {  	[smem:$0x3FB3] =	sst s0;
	s0 =	simm.s32 @!p1 $0x0  }
0x14: {  	s2 =	sld [smem:$0x3F97];
	s0 =	simm.s32 @p1 $0x1  }
0x15: {  	[smem:$0x3FB4] =	sst s0;
	s0 =	simm.s32 @!p2 $0x0  }
0x16: {  	s3 =	sld [smem:$0x3FDB];
	s0 =	simm.s32 @p2 $0x1  }
0x17: {  	s4 =	simm.s32 $0x1BF5;
	[smem:$0x3FB6] =	sst s0  }
0x18: {  	s0 =	sld [smem:$0x3F99];
	_ =	swait.ge [sflag:s4], $0x0  }
0x19: {  	s7 =	sld [smem:$0x3F9A]  }
0x1a: {  	s8 =	sadd.s32 $0xFFFFE003, lr  }
0x1b: {  	s9 =	sadd.s32 $0xFFFFFEF7, lr;
	s5 =	simm.s32 $0xFFFFFFFF;
	p2 =	slt.u32 s8, $0xFFFFF086  }
0x1c: {  	p1 =	slt.u32 s9, $0xF7A;
	s5 =	simm.s32 @!p2 $0x0  }
0x1d: {  	s5 =	simm.s32 @p1 $0x1;
	p0 =	seq.s32 s7, s2  }
0x1e: {  	s7 =	smul.u32 @!p0 $0xF7A, s2;
	p2 =	seq.s32 @!p0 s5, $0x0  }
0x1f: {  	s9 =	smul.u32 $0xF7A, s1;
	s8 =	simm.s32 @!p0 $0x1BF5;
	p2 =	por !p2, p0  }
0x20: {  	[sflag:s8] =	ssyncset.s32 @!p0 $0xFFFFF086;
	s6 =	sadd.s32 @!p0 s3, s7;
	s7 =	simm.s32 @!p0 $0x108  }
0x21: {  	s3 =	sadd.s32 s3, s9;
	s6 =	sadd.s32 @!p0 $0x88, s6;
	s7 =	simm.s32 @p2 $0x1082  }
0x22: {  	[simem:s7], [sflag:s8] =	dma.local @!p0 [hbm:s6], $0xF7A  }
0x23: {  	s9 =	sor.u32 $0xD0000000, s2;
	s6 =	simm.s32 $0x108;
	_ =	swait.ge @!p0 [sflag:s8], $0x0  }
0x24: {  	s3 =	sadd.s32 $0x88, s3;
	s6 =	simm.s32 @!p1 $0x1082;
	[sflag:s4] =	ssyncset.s32 $0xFFFFF086  }
0x25: {  	[simem:s6], [sflag:s4] =	dma.local [hbm:s3], $0xF7A  }
0x26: {  	[smem:$0x3F9A] =	sst s1;
	(tag) =	ssettag s2;
	_ =	strace s9  }
0x27: {  	s1 =	sld [smem:$0x3FAA]  }
0x28: {  	s2 =	sld [smem:$0x3FAB]  }
0x29: {  	s4 =	sld [smem:$0x3FAD]  }
0x2a: {  	p0 =	seq.s32 s5, $0x0;
	s5 =	sld [smem:$0x3FAE]  }
0x2b: {  	s6 =	sld [smem:$0x3FAF]  }
0x2c: {  	s7 =	sld [smem:$0x3FB0]  }
0x2d: {  	s3 =	simm.s32 $0x108;
	s8 =	sld [smem:$0x3FB1]  }
0x2e: {  	s3 =	simm.s32 @!p0 $0x1082;
	s9 =	sld [smem:$0x3FB2]  }
0x2f: {  	lr =	sadd.s32 s0, s3;
	s0 =	sld [smem:$0x3FA9]  }
0x30: {  	s3 =	sld [smem:$0x3FAC]  }
0x31: {  	[smem:$0x3FB5] =	sst s10  }
0x32: {  	s10 =	sld [smem:$0x3FB3];
	_ =	sdelay $0x3  }
0x33: {  	p0 =	seq.s32 s10, $0x1;
	s10 =	sld [smem:$0x3FB5];
	_ =	sdelay $0x3  }
0x34: {  	[smem:$0x3FB5] =	sst s10  }
0x35: {  	s10 =	sld [smem:$0x3FB4];
	_ =	sdelay $0x3  }
0x36: {  	p1 =	seq.s32 s10, $0x1;
	s10 =	sld [smem:$0x3FB5];
	_ =	sdelay $0x3  }
0x37: {  	[smem:$0x3FB5] =	sst s10  }
0x38: {  	s10 =	sld [smem:$0x3FB6]  }
0x39: {  	_ = 	snop;
	(pc) =	sbr.ind lr, $3  }
0x3a: {  	_ = 	snop  }
0x3b: {  	_ = 	snop  }
0x3c: {  	p2 =	seq.s32 s10, $0x1;
	s10 =	sld [smem:$0x3FB5]  }
0x3d: {  	_ =	shalt  }
0x3e: {  	_ =	shalt  }
0x3f: {  	_ =	shalt  }
0x40: {  	_ =	shalt  }
0x41: {  	_ =	shalt  }
0x42: {  	_ =	shalt  }
0x43: {  	_ =	shalt  }
0x44: {  	_ =	shalt  }
0x45: {  	_ =	shalt  }
0x46: {  	_ =	shalt  }
0x47: {  	_ =	shalt  }
0x48: {  	_ =	shalt  }
0x49: {  	_ =	shalt  }
0x4a: {  	_ =	shalt  }
0x4b: {  	_ =	shalt  }
0x4c: {  	_ =	shalt  }
0x4d: {  	_ =	shalt  }
0x4e: {  	_ =	shalt  }
0x4f: {  	_ =	shalt  }
0x50: {  	_ =	shalt  }
0x51: {  	_ =	shalt  }
0x52: {  	_ =	shalt  }
0x53: {  	_ =	shalt  }
0x54: {  	_ =	shalt  }
0x55: {  	_ =	shalt  }
0x56: {  	_ =	shalt  }
0x57: {  	_ =	shalt  }
0x58: {  	_ =	shalt  }
0x59: {  	_ =	shalt  }
0x5a: {  	_ =	shalt  }
0x5b: {  	_ =	shalt  }
0x5c: {  	_ =	shalt  }
0x5d: {  	_ =	shalt  }
0x5e: {  	_ =	shalt  }
0x5f: {  	_ =	shalt  }
0x60: {  	_ =	shalt  }
0x61: {  	_ =	shalt  }
0x62: {  	_ =	shalt  }
0x63: {  	_ =	shalt  }
0x64: {  	_ =	shalt  }
0x65: {  	_ =	shalt  }
0x66: {  	_ =	shalt  }
0x67: {  	_ =	shalt  }
0x68: {  	_ =	shalt  }
0x69: {  	_ =	shalt  }
0x6a: {  	_ =	shalt  }
0x6b: {  	_ =	shalt  }
0x6c: {  	_ =	shalt  }
0x6d: {  	_ =	shalt  }
0x6e: {  	_ =	shalt  }
0x6f: {  	_ =	shalt  }
0x70: {  	_ =	shalt  }
0x71: {  	_ =	shalt  }
0x72: {  	_ =	shalt  }
0x73: {  	_ =	shalt  }
0x74: {  	_ =	shalt  }
0x75: {  	_ =	shalt  }
0x76: {  	_ =	shalt  }
0x77: {  	_ =	shalt  }
0x78: {  	_ =	shalt  }
0x79: {  	_ =	shalt  }
0x7a: {  	_ =	shalt  }
0x7b: {  	_ =	shalt  }
0x7c: {  	_ =	shalt  }
0x7d: {  	_ =	shalt  }
0x7e: {  	_ =	shalt  }
0x7f: {  	_ =	shalt  }
0x80: {  	_ =	shalt  }
0x81: {  	_ =	shalt  }
0x82: {  	_ =	shalt  }
0x83: {  	_ =	shalt  }
0x84: {  	_ =	shalt  }
0x85: {  	_ =	shalt  }
0x86: {  	_ =	shalt  }
0x87: {  	_ =	shalt  }
.Lfunc_end0:
.L_simem_size_0:
called_computation.2_lowered:
.L_overlay_start_0:
0x88: {  	s2 =	sld [smem:$0x3FD9]  }
0x89: {  	s3 =	sld [smem:$0x3FFE];
	_ =	sdelay $0x1  }
0x8a: {  	s1 =	srdreg.scid  }
0x8b: {  	s0 =	sand.u32 $0x1, s1  }
0x8c: {  	s17 =	sshll.u32 s0, $0xA;
	s2 =	sadd.s32 s3, s2  }
0x8d: {  	s2 =	sadd.s32 s2, s17  }
0x8e: {  	[smem:$0x3FC1] =	sst s2  }
0x8f: {  	_ = 	snop  }
0x90: {  	s2 =	sld [smem:$0x3FD0];
	(tm) =	ssettm $0x1  }
0x91: {  	s18 =	sld [smem:$0x3FFB];
	_ =	sdelay $0x3  }
0x92: {  	_ =	strace s18  }
0x93: {  	s3 =	sld [smem:$0x3FFC];
	_ =	sdelay $0x3  }
0x94: {  	_ =	strace s3  }
0x95: {  	s3 =	sld [smem:$0x3FFD];
	_ =	sdelay $0x3  }
0x96: {  	_ =	strace s3  }
0x97: {  	_ =	strace $0x8FFFFFFF  }
0x98: {  	s19 =	sld [smem:$0x3FDB];
	_ =	sdelay $0x1  }
0x99: {  	s4 =	simm.s32 $_scs_section_size  }
0x9a: {  	s5 =	simm.s32 $_size__tile_overlayer_lowered;
	s6 =	simm.s32 $_tile_overlayer_lowered  }
0x9b: {  	s22 =	simm.s32 $0x1BFF;
	s21 =	sshll.u32 s6, $0x1;
	s3 =	sadd.s32 s4, s19  }
0x9c: {  	s7 =	simm.s32 $0x0;
	s20 =	sshll.u32 s5, $0x1;
	s5 =	sadd.s32 s21, s3  }
0x9d: {  	[timem:s7], [sflag:s22] =	dma.local [hbm:s5], s20  }
0x9e: {  	_ =	swait.ge [sflag:s22], s20  }
0x9f: {  	s4 =	ssub.s32 $0x0, s20;
	[sflag:s22] =	ssyncset.done $0x0  }
0xa0: {  	[sflag:s22] =	ssyncadd.s32 s4;
	_ =	sdelay $0x1  }
0xa1: {  	s23 =	simm.s32 $0x1B8B  }
0xa2: {  	_ =	swait.ge [sflag:s23], $0x1  }
0xa3: {  	[sflag:s23] =	ssyncset.done $0x0  }
0xa4: {  	s25 =	simm.s32 $0x1B8E;
	s24 =	sld [smem:$0x3FFE];
	[sflag:s23] =	ssyncadd.s32 $0xFFFFFFFF  }
0xa5: {  	s26 =	simm.s32 $execute0_lowered;
	[smem:$0x3FD2] =	sst s25  }
0xa6: {  	s5 =	sshll.u32 s26, $0x1;
	_ =	strace $0x8000004C;
	[dreg:$0x1] =	wrdreg $0xFFFFFFFF  }
0xa7: {  	s28 =	simm.s32 $_size_execute0_lowered;
	s3 =	sadd.s32 s3, s5;
	[dreg:$0x0] =	wrdreg $0x0  }
0xa8: {  	s5 =	sshll.u32 s28, $0x1;
	[dreg:$0x2] =	wrdreg s3  }
0xa9: {  	[dreg:$0x3] =	wrdreg s5  }
0xaa: {  	[dreg:$0x4] =	wrdreg $0xC0  }
0xab: {  	_ =	task [dreg:s7], $0x5FFFF  }
0xac: {  	[dreg:$0x1] =	wrdreg $0xFFFFFFFF  }
0xad: {  	[dreg:$0x0] =	wrdreg $0x60  }
0xae: {  	[dreg:$0x2] =	wrdreg s24  }
0xaf: {  	[dreg:$0x3] =	wrdreg s2  }
0xb0: {  	[dreg:$0x4] =	wrdreg $0x9  }
0xb1: {  	_ =	task.clear_ibuf [dreg:s7], $0x5FFFF;
	_ =	strace $0x9000004C  }
0xb2: {  	s29 =	simm.s32 $0x9;
	_ =	strace $0x8000004E  }
0xb3: {  	_ =	swait.ge [sflag:s29], $0x1  }
0xb4: {  	[sflag:s29] =	ssyncadd.s32 $0xFFFFFFFF  }
0xb5: {  	_ =	strace $0x9000004E  }
0xb6: {  	_ =	sfence  }
0xb7: {  	s30 =	sld [smem:$0x0];
	_ =	sdelay $0x2  }
0xb8: {  	s31 =	sshll.u32 s1, $0xD;
	s1 =	sshrl.u32 s1, $0x2  }
0xb9: {  	s3 =	sand.u32 $0x4000, s31;
	s1 =	sadd.s32 s1, s30  }
0xba: {  	s0 =	sor.u32 s3, s0;
	s1 =	sshll.u32 s1, $0x11  }
0xbb: {  	s0 =	sor.u32 s1, s0  }
0xbc: {  	s0 =	sadd.s32 $0x8F2B, s0  }
0xbd: {  	[sflag:s0] =	ssyncadd.remote.s32 $0x1  }
0xbe: {  	_ =	sfence.sel $0xFFFF  }
0xbf: {  	[dreg:$0x0] =	wrdreg $0xFFFFFFFF;
	(pc) =	sbr.abs _section_cstart, $3  }
0xc0: {  	[dreg:$0x1] =	wrdreg $0xFFFFFFFF  }
0xc1: {  	_ =	task.clear_ibuf [dreg:s7], $0x2FFFF;
	_ =	strace $0x9FFFFFFF  }
0xc2: {  	(tm) =	ssettm $0x7FFFFFFF  }
0xc3: {  	_ =	shalt  }
tec
execute0_lowered:
.L_overlay_start_1:
0x0: {  	(tag) =	ssettag $0x1  }
0x1: {  	s0 =	srdreg.scid;
	s6 =	rddreg [dreg:$0x0]  }
0x2: {  	s1 =	stileid.u32;
	s2 =	rddreg [dreg:$0x1]  }
0x3: {  	s3 =	simm.s32 $0x0;
	s13 =	simm.s32 $0xA;
	s15 =	simm.s32 $0x80  }
0x4: {  	s16 =	simm.s32 $0x1B00;
	s17 =	simm.s32 $0xDB00;
	s18 =	simm.s32 $0x5B00  }
0x5: {  	s19 =	simm.s32 $0x11B00;
	s20 =	simm.s32 $0x9B00;
	s21 =	simm.s32 $0x15B00  }
0x6: {  	s22 =	simm.s32 $0x1;
	s23 =	simm.s32 $0x4;
	s24 =	simm.s32 $0x2  }
0x7: {  	s25 =	simm.s32 $0x5;
	s0 =	sand.u32 $0x1, s0;
	s1 =	sshll.u32 s1, $0x1  }
0x8: {  	s26 =	simm.s32 $0x3;
	s28 =	simm.s32 $0x6;
	s1 =	sor.u32 s0, s1  }
0x9: {  	s30 =	simm.s32 $0x8;
	s31 =	simm.s32 $0x9;
	s4 =	smul.u32 $0x18, s1  }
0xa: {  	[smem:$0x7FF] =	sst s3;
	s0 =	ssub.s32 $0x2, s0;
	s1 =	smin.u32 s1, $0xE  }
0xb: {  	s5 =	sadd.s32 $0x1E00, s6;
	s7 =	sshrl.u32 s0, $0x1;
	s4 =	sadd.s32 s1, s4  }
0xc: {  	_ =	strace $0x8000004D;
	s0 =	ssub.s32 s0, s7;
	s1 =	sshll.u32 s4, $0x4  }
0xd: {  	s0 =	smax.u32 s0, $0x1;
	s7 =	sshll.u32 s4, $0x7;
	s1 =	sadd.s32 s1, s6  }
0xe: {  	s10 =	sadd.s32 $0x1, s4;
	[dreg:$0x5] =	wrdreg s0;
	s8 =	sadd.s32 $0xB5600, s1  }
0xf: {  	s11 =	sadd.s32 $0x2, s4;
	s1 =	sadd.s32 $0xB2400, s1;
	[dreg:$0x3] =	wrdreg s8  }
0x10: {  	s6 =	sadd.s32 $0x29000, s6;
	[dreg:$0x4] =	wrdreg s1;
	s1 =	simm.s32 $0x0  }
.LBB2_1:
0x11: {  	s0 =	rddreg [dreg:$0x3]  }
0x12: {  	[tilespmem:s3], [sflag:$0xA] =	stream.linear.gather [hbm4b:s0+s3], $0xD80, $0x38;
	[tilespmem:$0x19B00] =	vst v63  }
0x13: {  	_ =	swait.ge [sflag:s13], $0xD80  }
0x14: {  	[sflag:s13] =	ssyncset.done $0x0  }
0x15: {  	s8 =	simm.s32 $0xD80;
	s29 =	rddreg [dreg:$0x4];
	[sflag:s13] =	ssyncadd.s32 $0xFFFFF280  }
0x16: {  	[tilespmem:s8], [sflag:$0xA] =	stream.linear.gather [hbm4b:s29+s3], $0xD80, $0x38;
	[tilespmem:$0x19B00] =	vst v63  }
0x17: {  	_ =	swait.ge [sflag:s13], $0xD80  }
0x18: {  	[sflag:s13] =	ssyncset.done $0x0  }
0x19: {  	s0 =	simm.s32 $0x0;
	[sflag:s13] =	ssyncadd.s32 $0xFFFFF280  }
.LBB2_2:
0x1a: {  	s12 =	smul.u32 $0x3, s0  }
0x1b: {  	p0 =	seq.s32 s0, $0x0  }
0x1c: {  	s14 =	simm.s32 @!p0 $0x7;
	s8 =	sadd.s32 s4, s12  }
0x1d: {  	_ =	swait.ge @!p0 [sflag:s14], $0x4000;
	s8 =	sshll.u32 s8, $0x7  }
0x1e: {  	[sflag:s14] =	ssyncset.done @!p0 $0x0;
	s9 =	smin.u32 s8, $0x18620  }
0x1f: {  	[sflag:s14] =	ssyncadd.s32 @!p0 $0xFFFFC000;
	s8 =	ssub.s32 s9, s7  }
0x20: {  	[tilespmem:s16], [sflag:$0x1] =	stream.indirect.gather [hbm4b:s5+s15], $0x80, s8, s15, $0xb8;
	[tilespmem:$0x19B00] =	vst v63  }
0x21: {  	s8 =	sadd.s32 $0xD80, s8  }
0x22: {  	[tilespmem:s17], [sflag:$0x4] =	stream.indirect.gather [hbm4b:s6+s15], $0x80, s8, s15, $0xb8;
	[tilespmem:$0x19B00] =	vst v63  }
0x23: {  	s14 =	simm.s32 @!p0 $0x8;
	s8 =	sadd.s32 s12, s10  }
0x24: {  	s8 =	sshll.u32 s8, $0x7;
	_ =	swait.ge @!p0 [sflag:s14], $0x4000  }
0x25: {  	s8 =	smin.u32 s8, $0x18620;
	[sflag:s14] =	ssyncset.done @!p0 $0x0  }
0x26: {  	s29 =	ssub.s32 s8, s7;
	[sflag:s14] =	ssyncadd.s32 @!p0 $0xFFFFC000  }
0x27: {  	[tilespmem:s18], [sflag:$0x2] =	stream.indirect.gather [hbm4b:s5+s15], $0x80, s29, s15, $0xb8;
	[tilespmem:$0x19B00] =	vst v63  }
0x28: {  	s12 =	sadd.s32 s12, s11;
	s14 =	sadd.s32 $0xD80, s29;
	s29 =	simm.s32 @!p0 $0x9  }
0x29: {  	[tilespmem:s19], [sflag:$0x5] =	stream.indirect.gather [hbm4b:s6+s15], $0x80, s14, s15, $0xb8;
	[tilespmem:$0x19B00] =	vst v63  }
0x2a: {  	s12 =	sshll.u32 s12, $0x7;
	_ =	swait.ge @!p0 [sflag:s29], $0x4000  }
0x2b: {  	s14 =	smin.u32 s12, $0x18620;
	[sflag:s29] =	ssyncset.done @!p0 $0x0  }
0x2c: {  	s12 =	ssub.s32 s14, s7;
	[sflag:s29] =	ssyncadd.s32 @!p0 $0xFFFFC000  }
0x2d: {  	[tilespmem:s20], [sflag:$0x3] =	stream.indirect.gather [hbm4b:s5+s15], $0x80, s12, s15, $0xb8;
	[tilespmem:$0x19B00] =	vst v63  }
0x2e: {  	s12 =	sadd.s32 $0xD80, s12  }
0x2f: {  	[tilespmem:s21], [sflag:$0x6] =	stream.indirect.gather [hbm4b:s6+s15], $0x80, s12, s15, $0xb8;
	[tilespmem:$0x19B00] =	vst v63  }
0x30: {  	_ =	swait.ge [sflag:s22], $0x4000  }
0x31: {  	[sflag:s22] =	ssyncset.done $0x0  }
0x32: {  	[sflag:s22] =	ssyncadd.s32 $0xFFFFC000  }
0x33: {  	_ =	swait.ge [sflag:s23], $0x4000  }
0x34: {  	[sflag:s23] =	ssyncset.done $0x0  }
0x35: {  	s29 =	simm.s32 $0x200;
	s12 =	simm.s32 $0x0;
	[sflag:s23] =	ssyncadd.s32 $0xFFFFC000  }
.LBB2_3:
0x36: {  	p0 =	sne.s32 s29, $0xFE00;
	v0 =	vld [tilespmem:s12+$0xDB70]  }
0x37: {  	v1 =	vld [tilespmem:s12+$0xDB00]  }
0x38: {  	v2 =	vld [tilespmem:s12+$0xDB10]  }
0x39: {  	v3 =	vld [tilespmem:s12+$0xDB20]  }
0x3a: {  	v4 =	vld [tilespmem:s12+$0xDB30]  }
0x3b: {  	[tilespmem:s12+$0x1B70] =	vst.add.f32.msk $0xffff, v0  }
0x3c: {  	v0 =	vld [tilespmem:s12+$0xDB40]  }
0x3d: {  	v5 =	vld [tilespmem:s12+$0xDB50]  }
0x3e: {  	v6 =	vld [tilespmem:s12+$0xDB60]  }
0x3f: {  	[tilespmem:s12+$0x1B00] =	vst.add.f32.msk $0xffff, v1  }
0x40: {  	[tilespmem:s12+$0x1B10] =	vst.add.f32.msk $0xffff, v2  }
.Ltmp0:
0x41: {  	[tilespmem:s12+$0x1B20] =	vst.add.f32.msk $0xffff, v3;
	(pc) =	sbr.rel @p0 .LBB2_3-.Ltmp0, $4  }
0x42: {  	[tilespmem:s12+$0x1B30] =	vst.add.f32.msk $0xffff, v4  }
0x43: {  	[tilespmem:s12+$0x1B40] =	vst.add.f32.msk $0xffff, v0  }
0x44: {  	[tilespmem:s12+$0x1B50] =	vst.add.f32.msk $0xffff, v5  }
0x45: {  	[tilespmem:s12+$0x1B60] =	vst.add.f32.msk $0xffff, v6;
	s12 =	sshra.s32 s29, $0x2;
	s29 =	sadd.s32 $0x200, s29  }
0x46: {  	v0 =	vld [tilespmem:s12+$0xDB70]  }
0x47: {  	v1 =	vld [tilespmem:s12+$0xDB00]  }
0x48: {  	v2 =	vld [tilespmem:s12+$0xDB10]  }
0x49: {  	v3 =	vld [tilespmem:s12+$0xDB20]  }
0x4a: {  	v4 =	vld [tilespmem:s12+$0xDB30]  }
0x4b: {  	v63 =	vld [tilespmem:s12+$0xDB40]  }
0x4c: {  	v5 =	vld [tilespmem:s12+$0xDB50]  }
0x4d: {  	v6 =	vld [tilespmem:s12+$0xDB60]  }
0x4e: {  	[tilespmem:s12+$0x1B70] =	vst.add.f32.msk $0xffff, v0  }
0x4f: {  	[tilespmem:s12+$0x1B00] =	vst.add.f32.msk $0xffff, v1  }
0x50: {  	[tilespmem:s12+$0x1B10] =	vst.add.f32.msk $0xffff, v2  }
0x51: {  	[tilespmem:s12+$0x1B20] =	vst.add.f32.msk $0xffff, v3  }
0x52: {  	[tilespmem:s12+$0x1B30] =	vst.add.f32.msk $0xffff, v4  }
0x53: {  	[tilespmem:s12+$0x1B40] =	vst.add.f32.msk $0xffff, v63  }
0x54: {  	s9 =	sshll.u32 s9, $0x4;
	[tilespmem:s12+$0x1B50] =	vst.add.f32.msk $0xffff, v5  }
0x55: {  	s29 =	simm.s32 $0x0;
	s9 =	sadd.s32 s2, s9;
	[tilespmem:s12+$0x1B60] =	vst.add.f32.msk $0xffff, v6  }
0x56: {  	[hbm4b:s9+s29] =	stream.linear.scatter [tilespmem:s16], [sflag:$0x7], $0x4000, $0x38;
	[tilespmem:$0x19B00] =	vst v63  }
0x57: {  	_ =	swait.ge [sflag:s24], $0x4000  }
0x58: {  	[sflag:s24] =	ssyncset.done $0x0  }
0x59: {  	[sflag:s24] =	ssyncadd.s32 $0xFFFFC000  }
0x5a: {  	_ =	swait.ge [sflag:s25], $0x4000  }
0x5b: {  	[sflag:s25] =	ssyncset.done $0x0  }
0x5c: {  	s12 =	simm.s32 $0x200;
	s9 =	simm.s32 $0x0;
	[sflag:s25] =	ssyncadd.s32 $0xFFFFC000  }
.LBB2_5:
0x5d: {  	p0 =	sne.s32 s12, $0xFE00;
	v0 =	vld [tilespmem:s9+$0x11B70]  }
0x5e: {  	v1 =	vld [tilespmem:s9+$0x11B00]  }
0x5f: {  	v2 =	vld [tilespmem:s9+$0x11B10]  }
0x60: {  	v3 =	vld [tilespmem:s9+$0x11B20]  }
0x61: {  	v4 =	vld [tilespmem:s9+$0x11B30]  }
0x62: {  	[tilespmem:s9+$0x5B70] =	vst.add.f32.msk $0xffff, v0  }
0x63: {  	v0 =	vld [tilespmem:s9+$0x11B40]  }
0x64: {  	v5 =	vld [tilespmem:s9+$0x11B50]  }
0x65: {  	v6 =	vld [tilespmem:s9+$0x11B60]  }
0x66: {  	[tilespmem:s9+$0x5B00] =	vst.add.f32.msk $0xffff, v1  }
0x67: {  	[tilespmem:s9+$0x5B10] =	vst.add.f32.msk $0xffff, v2  }
.Ltmp1:
0x68: {  	[tilespmem:s9+$0x5B20] =	vst.add.f32.msk $0xffff, v3;
	(pc) =	sbr.rel @p0 .LBB2_5-.Ltmp1, $4  }
0x69: {  	[tilespmem:s9+$0x5B30] =	vst.add.f32.msk $0xffff, v4  }
0x6a: {  	[tilespmem:s9+$0x5B40] =	vst.add.f32.msk $0xffff, v0  }
0x6b: {  	[tilespmem:s9+$0x5B50] =	vst.add.f32.msk $0xffff, v5  }
0x6c: {  	[tilespmem:s9+$0x5B60] =	vst.add.f32.msk $0xffff, v6;
	s9 =	sshra.s32 s12, $0x2;
	s12 =	sadd.s32 $0x200, s12  }
0x6d: {  	v0 =	vld [tilespmem:s9+$0x11B70]  }
0x6e: {  	v1 =	vld [tilespmem:s9+$0x11B00]  }
0x6f: {  	v2 =	vld [tilespmem:s9+$0x11B10]  }
0x70: {  	v3 =	vld [tilespmem:s9+$0x11B20]  }
0x71: {  	v4 =	vld [tilespmem:s9+$0x11B30]  }
0x72: {  	v63 =	vld [tilespmem:s9+$0x11B40]  }
0x73: {  	v5 =	vld [tilespmem:s9+$0x11B50]  }
0x74: {  	v6 =	vld [tilespmem:s9+$0x11B60]  }
0x75: {  	[tilespmem:s9+$0x5B70] =	vst.add.f32.msk $0xffff, v0  }
0x76: {  	[tilespmem:s9+$0x5B00] =	vst.add.f32.msk $0xffff, v1  }
0x77: {  	[tilespmem:s9+$0x5B10] =	vst.add.f32.msk $0xffff, v2  }
0x78: {  	[tilespmem:s9+$0x5B20] =	vst.add.f32.msk $0xffff, v3  }
0x79: {  	[tilespmem:s9+$0x5B30] =	vst.add.f32.msk $0xffff, v4  }
0x7a: {  	[tilespmem:s9+$0x5B40] =	vst.add.f32.msk $0xffff, v63  }
0x7b: {  	s8 =	sshll.u32 s8, $0x4;
	[tilespmem:s9+$0x5B50] =	vst.add.f32.msk $0xffff, v5  }
0x7c: {  	s29 =	simm.s32 $0x0;
	s8 =	sadd.s32 s2, s8;
	[tilespmem:s9+$0x5B60] =	vst.add.f32.msk $0xffff, v6  }
0x7d: {  	[hbm4b:s8+s29] =	stream.linear.scatter [tilespmem:s18], [sflag:$0x8], $0x4000, $0x38;
	[tilespmem:$0x19B00] =	vst v63  }
0x7e: {  	_ =	swait.ge [sflag:s26], $0x4000  }
0x7f: {  	[sflag:s26] =	ssyncset.done $0x0  }
0x80: {  	[sflag:s26] =	ssyncadd.s32 $0xFFFFC000  }
0x81: {  	_ =	swait.ge [sflag:s28], $0x4000  }
0x82: {  	[sflag:s28] =	ssyncset.done $0x0  }
0x83: {  	s9 =	simm.s32 $0x200;
	s8 =	simm.s32 $0x0;
	[sflag:s28] =	ssyncadd.s32 $0xFFFFC000  }
.LBB2_7:
0x84: {  	p0 =	sne.s32 s9, $0xFE00;
	v0 =	vld [tilespmem:s8+$0x15B70]  }
0x85: {  	v1 =	vld [tilespmem:s8+$0x15B00]  }
0x86: {  	v2 =	vld [tilespmem:s8+$0x15B10]  }
0x87: {  	v3 =	vld [tilespmem:s8+$0x15B20]  }
0x88: {  	v4 =	vld [tilespmem:s8+$0x15B30]  }
0x89: {  	[tilespmem:s8+$0x9B70] =	vst.add.f32.msk $0xffff, v0  }
0x8a: {  	v0 =	vld [tilespmem:s8+$0x15B40]  }
0x8b: {  	v5 =	vld [tilespmem:s8+$0x15B50]  }
0x8c: {  	v6 =	vld [tilespmem:s8+$0x15B60]  }
0x8d: {  	[tilespmem:s8+$0x9B00] =	vst.add.f32.msk $0xffff, v1  }
0x8e: {  	[tilespmem:s8+$0x9B10] =	vst.add.f32.msk $0xffff, v2  }
.Ltmp2:
0x8f: {  	[tilespmem:s8+$0x9B20] =	vst.add.f32.msk $0xffff, v3;
	(pc) =	sbr.rel @p0 .LBB2_7-.Ltmp2, $4  }
0x90: {  	[tilespmem:s8+$0x9B30] =	vst.add.f32.msk $0xffff, v4  }
0x91: {  	[tilespmem:s8+$0x9B40] =	vst.add.f32.msk $0xffff, v0  }
0x92: {  	[tilespmem:s8+$0x9B50] =	vst.add.f32.msk $0xffff, v5  }
0x93: {  	[tilespmem:s8+$0x9B60] =	vst.add.f32.msk $0xffff, v6;
	s8 =	sshra.s32 s9, $0x2;
	s9 =	sadd.s32 $0x200, s9  }
0x94: {  	v0 =	vld [tilespmem:s8+$0x15B70]  }
0x95: {  	v1 =	vld [tilespmem:s8+$0x15B00]  }
0x96: {  	v2 =	vld [tilespmem:s8+$0x15B10]  }
0x97: {  	v3 =	vld [tilespmem:s8+$0x15B20]  }
0x98: {  	v4 =	vld [tilespmem:s8+$0x15B30]  }
0x99: {  	v63 =	vld [tilespmem:s8+$0x15B40]  }
0x9a: {  	v5 =	vld [tilespmem:s8+$0x15B50]  }
0x9b: {  	v6 =	vld [tilespmem:s8+$0x15B60]  }
0x9c: {  	[tilespmem:s8+$0x9B70] =	vst.add.f32.msk $0xffff, v0  }
0x9d: {  	[tilespmem:s8+$0x9B00] =	vst.add.f32.msk $0xffff, v1  }
0x9e: {  	s0 =	sadd.s32 $0x1, s0;
	[tilespmem:s8+$0x9B10] =	vst.add.f32.msk $0xffff, v2  }
0x9f: {  	p0 =	sne.s32 s0, $0x9;
	[tilespmem:s8+$0x9B20] =	vst.add.f32.msk $0xffff, v3  }
.Ltmp3:
0xa0: {  	[tilespmem:s8+$0x9B30] =	vst.add.f32.msk $0xffff, v4;
	(pc) =	sbr.rel @p0 .LBB2_2-.Ltmp3, $4  }
0xa1: {  	[tilespmem:s8+$0x9B40] =	vst.add.f32.msk $0xffff, v63  }
0xa2: {  	s9 =	sshll.u32 s14, $0x4;
	[tilespmem:s8+$0x9B50] =	vst.add.f32.msk $0xffff, v5  }
0xa3: {  	s29 =	sadd.s32 s2, s9;
	[tilespmem:s8+$0x9B60] =	vst.add.f32.msk $0xffff, v6  }
0xa4: {  	[hbm4b:s29+s3] =	stream.linear.scatter [tilespmem:s20], [sflag:$0x9], $0x4000, $0x38;
	[tilespmem:$0x19B00] =	vst v63  }
0xa5: {  	s0 =	simm.s32 $0x7  }
0xa6: {  	_ =	swait.ge [sflag:s0], $0x4000  }
0xa7: {  	[sflag:s0] =	ssyncset.done $0x0  }
0xa8: {  	[sflag:s0] =	ssyncadd.s32 $0xFFFFC000  }
0xa9: {  	_ =	swait.ge [sflag:s30], $0x4000  }
0xaa: {  	[sflag:s30] =	ssyncset.done $0x0  }
0xab: {  	[sflag:s30] =	ssyncadd.s32 $0xFFFFC000  }
0xac: {  	_ =	swait.ge [sflag:s31], $0x4000  }
0xad: {  	s1 =	sadd.s32 $0x1, s1;
	s29 =	rddreg [dreg:$0x5]  }
0xae: {  	p0 =	sne.s32 s1, s29  }
.Ltmp4:
0xaf: {  	_ = 	snop;
	(pc) =	sbr.rel @p0 .LBB2_1-.Ltmp4, $3  }
0xb0: {  	_ =	sdelay $0x1  }
0xb1: {  	[sflag:s31] =	ssyncset.done $0x0  }
0xb2: {  	[sflag:s31] =	ssyncadd.s32 $0xFFFFC000  }
0xb3: {  	_ =	sfence.sel $0x180000  }
0xb4: {  	[bflag:$0x0] =	sbarrier.arrive $0xFFFF  }
0xb5: {  	_ =	strace $0x9000004D  }
0xb6: {  	s0 =	stileid.u32;
	[bflag:$0x2] =	sbarrier.arrive $0xFFFF  }
0xb7: {  	p0 =	sne.s32 s0, $0x0;
	s0 =	rddreg [dreg:$0x2]  }
0xb8: {  	s0 =	sadd.s32 @!p0 $0x100000, s0  }
0xb9: {  	[sflag:s0] =	ssyncadd.tile.s32 @!p0 $0x1;
	_ =	shalt  }
.Lfunc_end2:
_tile_overlayer_lowered:
.L_overlay_start_2:
0xba: {  	(tag) =	ssettag $0x2  }
0xbb: {  	s0 =	rddreg [dreg:$0x0];
	s2 =	stileid.u32  }
0xbc: {  	s1 =	rddreg [dreg:$0x1];
	p0 =	sne.s32 s2, $0x0  }
0xbd: {  	s3 =	rddreg [dreg:$0x2];
	[bflag:$0x3] =	sbarrier.arrive $0xFFFF;
	s2 =	simm.s32 @!p0 $0x1C0A  }
0xbe: {  	[timem:s3], [sflag:s2] =	dma.local @!p0 [hbm:s0], s1  }
0xbf: {  	s0 =	simm.s32 @!p0 $0xA  }
0xc0: {  	_ =	swait.ge @!p0 [sflag:s0], s1  }
0xc1: {  	s1 =	ssub.s32 @!p0 $0x0, s1;
	[sflag:s0] =	ssyncset.done @!p0 $0x0  }
0xc2: {  	[sflag:s0] =	ssyncadd.s32 @!p0 s1  }
0xc3: {  	[bflag:$0x3] =	sbarrier.arrive $0xFFFF  }
0xc4: {  	_ =	shalt  }

// kernel: kernel.7.cloned.1.call-start
scs
__scs_entry_jumppad:
0x0: {  	(pc) =	sbr.rel $0x88, $3  }
0x1: {  	(tag) =	ssettag $0x0;
	lr =	simm.s32 $0x1  }
0x2: {  	[smem:$0x3F9A] =	sst lr;
	_ =	strace $0xD0000000  }
0x3: {  	_ = 	snop  }
0x4: {  	_ = 	snop  }
0x5: {  	_ = 	snop  }
0x6: {  	_ = 	snop  }
0x7: {  	_ = 	snop  }
__scs_overlays_trampoline_lowered:
0x8: {  	[smem:$0x3FA9] =	sst s0  }
0x9: {  	[smem:$0x3FAA] =	sst s1  }
0xa: {  	[smem:$0x3FAB] =	sst s2  }
0xb: {  	[smem:$0x3FAC] =	sst s3  }
0xc: {  	[smem:$0x3FAD] =	sst s4  }
0xd: {  	[smem:$0x3FAE] =	sst s5  }
0xe: {  	[smem:$0x3FAF] =	sst s6  }
0xf: {  	[smem:$0x3FB0] =	sst s7  }
0x10: {  	[smem:$0x3FB1] =	sst s8  }
0x11: {  	[smem:$0x3FB2] =	sst s9;
	s0 =	simm.s32 @!p0 $0x0  }
0x12: {  	s1 =	sld [smem:$0x3F98];
	s0 =	simm.s32 @p0 $0x1  }
0x13: {  	[smem:$0x3FB3] =	sst s0;
	s0 =	simm.s32 @!p1 $0x0  }
0x14: {  	s2 =	sld [smem:$0x3F97];
	s0 =	simm.s32 @p1 $0x1  }
0x15: {  	[smem:$0x3FB4] =	sst s0;
	s0 =	simm.s32 @!p2 $0x0  }
0x16: {  	s3 =	sld [smem:$0x3FDB];
	s0 =	simm.s32 @p2 $0x1  }
0x17: {  	s4 =	simm.s32 $0x1BF5;
	[smem:$0x3FB6] =	sst s0  }
0x18: {  	s0 =	sld [smem:$0x3F99];
	_ =	swait.ge [sflag:s4], $0x0  }
0x19: {  	s7 =	sld [smem:$0x3F9A]  }
0x1a: {  	s8 =	sadd.s32 $0xFFFFE003, lr  }
0x1b: {  	s9 =	sadd.s32 $0xFFFFFEF7, lr;
	s5 =	simm.s32 $0xFFFFFFFF;
	p2 =	slt.u32 s8, $0xFFFFF086  }
0x1c: {  	p1 =	slt.u32 s9, $0xF7A;
	s5 =	simm.s32 @!p2 $0x0  }
0x1d: {  	s5 =	simm.s32 @p1 $0x1;
	p0 =	seq.s32 s7, s2  }
0x1e: {  	s7 =	smul.u32 @!p0 $0xF7A, s2;
	p2 =	seq.s32 @!p0 s5, $0x0  }
0x1f: {  	s9 =	smul.u32 $0xF7A, s1;
	s8 =	simm.s32 @!p0 $0x1BF5;
	p2 =	por !p2, p0  }
0x20: {  	[sflag:s8] =	ssyncset.s32 @!p0 $0xFFFFF086;
	s6 =	sadd.s32 @!p0 s3, s7;
	s7 =	simm.s32 @!p0 $0x108  }
0x21: {  	s3 =	sadd.s32 s3, s9;
	s6 =	sadd.s32 @!p0 $0x88, s6;
	s7 =	simm.s32 @p2 $0x1082  }
0x22: {  	[simem:s7], [sflag:s8] =	dma.local @!p0 [hbm:s6], $0xF7A  }
0x23: {  	s9 =	sor.u32 $0xD0000000, s2;
	s6 =	simm.s32 $0x108;
	_ =	swait.ge @!p0 [sflag:s8], $0x0  }
0x24: {  	s3 =	sadd.s32 $0x88, s3;
	s6 =	simm.s32 @!p1 $0x1082;
	[sflag:s4] =	ssyncset.s32 $0xFFFFF086  }
0x25: {  	[simem:s6], [sflag:s4] =	dma.local [hbm:s3], $0xF7A  }
0x26: {  	[smem:$0x3F9A] =	sst s1;
	(tag) =	ssettag s2;
	_ =	strace s9  }
0x27: {  	s1 =	sld [smem:$0x3FAA]  }
0x28: {  	s2 =	sld [smem:$0x3FAB]  }
0x29: {  	s4 =	sld [smem:$0x3FAD]  }
0x2a: {  	p0 =	seq.s32 s5, $0x0;
	s5 =	sld [smem:$0x3FAE]  }
0x2b: {  	s6 =	sld [smem:$0x3FAF]  }
0x2c: {  	s7 =	sld [smem:$0x3FB0]  }
0x2d: {  	s3 =	simm.s32 $0x108;
	s8 =	sld [smem:$0x3FB1]  }
0x2e: {  	s3 =	simm.s32 @!p0 $0x1082;
	s9 =	sld [smem:$0x3FB2]  }
0x2f: {  	lr =	sadd.s32 s0, s3;
	s0 =	sld [smem:$0x3FA9]  }
0x30: {  	s3 =	sld [smem:$0x3FAC]  }
0x31: {  	[smem:$0x3FB5] =	sst s10  }
0x32: {  	s10 =	sld [smem:$0x3FB3];
	_ =	sdelay $0x3  }
0x33: {  	p0 =	seq.s32 s10, $0x1;
	s10 =	sld [smem:$0x3FB5];
	_ =	sdelay $0x3  }
0x34: {  	[smem:$0x3FB5] =	sst s10  }
0x35: {  	s10 =	sld [smem:$0x3FB4];
	_ =	sdelay $0x3  }
0x36: {  	p1 =	seq.s32 s10, $0x1;
	s10 =	sld [smem:$0x3FB5];
	_ =	sdelay $0x3  }
0x37: {  	[smem:$0x3FB5] =	sst s10  }
0x38: {  	s10 =	sld [smem:$0x3FB6]  }
0x39: {  	_ = 	snop;
	(pc) =	sbr.ind lr, $3  }
0x3a: {  	_ = 	snop  }
0x3b: {  	_ = 	snop  }
0x3c: {  	p2 =	seq.s32 s10, $0x1;
	s10 =	sld [smem:$0x3FB5]  }
0x3d: {  	_ =	shalt  }
0x3e: {  	_ =	shalt  }
0x3f: {  	_ =	shalt  }
0x40: {  	_ =	shalt  }
0x41: {  	_ =	shalt  }
0x42: {  	_ =	shalt  }
0x43: {  	_ =	shalt  }
0x44: {  	_ =	shalt  }
0x45: {  	_ =	shalt  }
0x46: {  	_ =	shalt  }
0x47: {  	_ =	shalt  }
0x48: {  	_ =	shalt  }
0x49: {  	_ =	shalt  }
0x4a: {  	_ =	shalt  }
0x4b: {  	_ =	shalt  }
0x4c: {  	_ =	shalt  }
0x4d: {  	_ =	shalt  }
0x4e: {  	_ =	shalt  }
0x4f: {  	_ =	shalt  }
0x50: {  	_ =	shalt  }
0x51: {  	_ =	shalt  }
0x52: {  	_ =	shalt  }
0x53: {  	_ =	shalt  }
0x54: {  	_ =	shalt  }
0x55: {  	_ =	shalt  }
0x56: {  	_ =	shalt  }
0x57: {  	_ =	shalt  }
0x58: {  	_ =	shalt  }
0x59: {  	_ =	shalt  }
0x5a: {  	_ =	shalt  }
0x5b: {  	_ =	shalt  }
0x5c: {  	_ =	shalt  }
0x5d: {  	_ =	shalt  }
0x5e: {  	_ =	shalt  }
0x5f: {  	_ =	shalt  }
0x60: {  	_ =	shalt  }
0x61: {  	_ =	shalt  }
0x62: {  	_ =	shalt  }
0x63: {  	_ =	shalt  }
0x64: {  	_ =	shalt  }
0x65: {  	_ =	shalt  }
0x66: {  	_ =	shalt  }
0x67: {  	_ =	shalt  }
0x68: {  	_ =	shalt  }
0x69: {  	_ =	shalt  }
0x6a: {  	_ =	shalt  }
0x6b: {  	_ =	shalt  }
0x6c: {  	_ =	shalt  }
0x6d: {  	_ =	shalt  }
0x6e: {  	_ =	shalt  }
0x6f: {  	_ =	shalt  }
0x70: {  	_ =	shalt  }
0x71: {  	_ =	shalt  }
0x72: {  	_ =	shalt  }
0x73: {  	_ =	shalt  }
0x74: {  	_ =	shalt  }
0x75: {  	_ =	shalt  }
0x76: {  	_ =	shalt  }
0x77: {  	_ =	shalt  }
0x78: {  	_ =	shalt  }
0x79: {  	_ =	shalt  }
0x7a: {  	_ =	shalt  }
0x7b: {  	_ =	shalt  }
0x7c: {  	_ =	shalt  }
0x7d: {  	_ =	shalt  }
0x7e: {  	_ =	shalt  }
0x7f: {  	_ =	shalt  }
0x80: {  	_ =	shalt  }
0x81: {  	_ =	shalt  }
0x82: {  	_ =	shalt  }
0x83: {  	_ =	shalt  }
0x84: {  	_ =	shalt  }
0x85: {  	_ =	shalt  }
0x86: {  	_ =	shalt  }
0x87: {  	_ =	shalt  }
.Lfunc_end0:
.L_simem_size_0:
called_computation_lowered:
.L_overlay_start_0:
0x88: {  	s2 =	sld [smem:$0x3FD9]  }
0x89: {  	s3 =	sld [smem:$0x3FFE];
	_ =	sdelay $0x1  }
0x8a: {  	s1 =	srdreg.scid  }
0x8b: {  	s0 =	sand.u32 $0x1, s1  }
0x8c: {  	s17 =	sshll.u32 s0, $0xA;
	s2 =	sadd.s32 s3, s2  }
0x8d: {  	s2 =	sadd.s32 s2, s17  }
0x8e: {  	[smem:$0x3FC1] =	sst s2  }
0x8f: {  	_ = 	snop  }
0x90: {  	s2 =	sld [smem:$0x3FD0];
	(tm) =	ssettm $0x1  }
0x91: {  	s18 =	sld [smem:$0x3FFB];
	_ =	sdelay $0x3  }
0x92: {  	_ =	strace s18  }
0x93: {  	s3 =	sld [smem:$0x3FFC];
	_ =	sdelay $0x3  }
0x94: {  	_ =	strace s3  }
0x95: {  	s3 =	sld [smem:$0x3FFD];
	_ =	sdelay $0x3  }
0x96: {  	_ =	strace s3  }
0x97: {  	_ =	strace $0x8FFFFFFF  }
0x98: {  	s19 =	sld [smem:$0x3FDB];
	_ =	sdelay $0x1  }
0x99: {  	s4 =	simm.s32 $_scs_section_size  }
0x9a: {  	s5 =	simm.s32 $_size__tile_overlayer_lowered;
	s6 =	simm.s32 $_tile_overlayer_lowered  }
0x9b: {  	s22 =	simm.s32 $0x1BFF;
	s21 =	sshll.u32 s6, $0x1;
	s3 =	sadd.s32 s4, s19  }
0x9c: {  	s7 =	simm.s32 $0x0;
	s20 =	sshll.u32 s5, $0x1;
	s5 =	sadd.s32 s21, s3  }
0x9d: {  	[timem:s7], [sflag:s22] =	dma.local [hbm:s5], s20  }
0x9e: {  	_ =	swait.ge [sflag:s22], s20  }
0x9f: {  	s4 =	ssub.s32 $0x0, s20;
	[sflag:s22] =	ssyncset.done $0x0  }
0xa0: {  	[sflag:s22] =	ssyncadd.s32 s4;
	_ =	sdelay $0x1  }
0xa1: {  	s23 =	simm.s32 $0x1B8B  }
0xa2: {  	_ =	swait.ge [sflag:s23], $0x1  }
0xa3: {  	[sflag:s23] =	ssyncset.done $0x0  }
0xa4: {  	s25 =	simm.s32 $0x1B8E;
	s24 =	sld [smem:$0x3FFE];
	[sflag:s23] =	ssyncadd.s32 $0xFFFFFFFF  }
0xa5: {  	s26 =	simm.s32 $execute0_lowered;
	[smem:$0x3FD2] =	sst s25  }
0xa6: {  	s5 =	sshll.u32 s26, $0x1;
	_ =	strace $0x80000046;
	[dreg:$0x1] =	wrdreg $0xFFFFFFFF  }
0xa7: {  	s28 =	simm.s32 $_size_execute0_lowered;
	s3 =	sadd.s32 s3, s5;
	[dreg:$0x0] =	wrdreg $0x0  }
0xa8: {  	s5 =	sshll.u32 s28, $0x1;
	[dreg:$0x2] =	wrdreg s3  }
0xa9: {  	[dreg:$0x3] =	wrdreg s5  }
0xaa: {  	[dreg:$0x4] =	wrdreg $0xC0  }
0xab: {  	_ =	task [dreg:s7], $0x5FFFF  }
0xac: {  	[dreg:$0x1] =	wrdreg $0xFFFFFFFF  }
0xad: {  	[dreg:$0x0] =	wrdreg $0x60  }
0xae: {  	[dreg:$0x2] =	wrdreg s24  }
0xaf: {  	[dreg:$0x3] =	wrdreg s2  }
0xb0: {  	[dreg:$0x4] =	wrdreg $0x68000  }
0xb1: {  	[dreg:$0x5] =	wrdreg $0x9  }
0xb2: {  	_ =	task.clear_ibuf [dreg:s7], $0x6FFFF;
	_ =	strace $0x90000046  }
0xb3: {  	s29 =	simm.s32 $0x9;
	_ =	strace $0x80000048  }
0xb4: {  	_ =	swait.ge [sflag:s29], $0x1  }
0xb5: {  	[sflag:s29] =	ssyncadd.s32 $0xFFFFFFFF  }
0xb6: {  	_ =	strace $0x90000048  }
0xb7: {  	_ =	sfence  }
0xb8: {  	s30 =	sld [smem:$0x0];
	_ =	sdelay $0x2  }
0xb9: {  	s31 =	sshll.u32 s1, $0xD;
	s1 =	sshrl.u32 s1, $0x2  }
0xba: {  	s3 =	sand.u32 $0x4000, s31;
	s1 =	sadd.s32 s1, s30  }
0xbb: {  	s0 =	sor.u32 s3, s0;
	s1 =	sshll.u32 s1, $0x11  }
0xbc: {  	s0 =	sor.u32 s1, s0  }
0xbd: {  	s0 =	sadd.s32 $0x8F2B, s0  }
0xbe: {  	[sflag:s0] =	ssyncadd.remote.s32 $0x1  }
0xbf: {  	_ =	sfence.sel $0xFFFF  }
0xc0: {  	[dreg:$0x0] =	wrdreg $0xFFFFFFFF;
	(pc) =	sbr.abs _section_cstart, $3  }
0xc1: {  	[dreg:$0x1] =	wrdreg $0xFFFFFFFF  }
0xc2: {  	_ =	task.clear_ibuf [dreg:s7], $0x2FFFF;
	_ =	strace $0x9FFFFFFF  }
0xc3: {  	(tm) =	ssettm $0x7FFFFFFF  }
tec
execute0_lowered:
.L_overlay_start_1:
0x0: {  	(tag) =	ssettag $0x1  }
0x1: {  	s5 =	rddreg [dreg:$0x0]  }
0x2: {  	s0 =	srdreg.scid;
	s1 =	rddreg [dreg:$0x1]  }
0x3: {  	s11 =	stileid.u32;
	s2 =	rddreg [dreg:$0x2]  }
0x4: {  	s3 =	simm.s32 $0x0;
	s16 =	simm.s32 $0x0;
	s6 =	sand.u32 $0x1, s0  }
0x5: {  	s22 =	sshll.u32 s11, $0x1;
	s0 =	rddreg [dreg:$0x3];
	s9 =	smul.u32 $0x4E000, s11  }
0x6: {  	[smem:$0x7FF] =	sst s3;
	s10 =	sadd.s32 $0x33000, s5;
	s12 =	smul.u32 $0x13800, s11  }
0x7: {  	s28 =	sshll.u32 s11, $0x6;
	s15 =	sadd.s32 $0x138000, s2;
	p0 =	sne.s32 s11, $0x0  }
0x8: {  	s4 =	sor.u32 s6, s22;
	_ =	strace $0x80000047;
	s25 =	smul.u32 $0x138800, s6  }
0x9: {  	s8 =	ssub.s32 $0x2, s6;
	s6 =	sor.u32 $0x1C01, s28;
	s4 =	smul.u32 $0x500, s4  }
0xa: {  	s23 =	sshrl.u32 s8, $0x1;
	s24 =	sshrl.u32 s9, $0x2;
	s26 =	sshrl.u32 s12, $0x3  }
0xb: {  	s13 =	ssub.s32 s8, s23;
	s14 =	sadd.s32 s24, s2;
	s29 =	sadd.s32 s12, s25  }
0xc: {  	s30 =	sshrl.u32 s25, $0x3;
	s12 =	simm.s32 $0x1;
	s7 =	sadd.s32 s4, s5  }
0xd: {  	s4 =	sadd.s32 $0xBE00, s5;
	s9 =	sshrl.u32 s29, $0x3;
	s31 =	sadd.s32 s10, s30  }
0xe: {  	s11 =	sshrl.u32 s14, $0x3;
	s14 =	simm.s32 $0x2800;
	s5 =	sadd.s32 s4, s26  }
0xf: {  	s7 =	sadd.s32 $0x1E00, s7;
	s8 =	sadd.s32 s10, s9;
	s9 =	sadd.s32 $0x27000, s31  }
0x10: {  	s10 =	smax.u32 s13, $0x1;
	s13 =	sshrl.u32 @!p0 s15, $0x3;
	s15 =	simm.s32 $0x80  }
.LBB2_1:
0x11: {  	[spmem:s11], [sflag:s6] =	dma.local [hbm:s5], $0x2700  }
0x12: {  	_ =	swait.ge [sflag:s12], $0x2700  }
0x13: {  	[sflag:s12] =	ssyncset.done $0x0  }
0x14: {  	s17 =	simm.s32 @!p0 $0x1;
	[sflag:s12] =	ssyncadd.s32 $0xFFFFD900  }
0x15: {  	[spmem:s13], [sflag:s6] =	dma.local @!p0 [hbm:s4], $0x900  }
0x16: {  	_ =	swait.ge @!p0 [sflag:s17], $0x900  }
0x17: {  	[sflag:s17] =	ssyncset.done @!p0 $0x0  }
0x18: {  	[sflag:s17] =	ssyncadd.s32 @!p0 $0xFFFFF700  }
0x19: {  	[tilespmem:s3], [sflag:$0x1] =	stream.linear.gather [hbm4b:s7+s3], $0x2800, $0x38;
	[tilespmem:$0x1A480] =	vst v63  }
0x1a: {  	_ =	swait.ge [sflag:s12], $0x2800  }
0x1b: {  	[sflag:s12] =	ssyncset.done $0x0  }
0x1c: {  	[sflag:s12] =	ssyncadd.s32 $0xFFFFD800  }
0x1d: {  	[tilespmem:s14], [sflag:$0x1] =	stream.linear.gather [hbm4b:s1+s3], $0x4000, $0x38;
	[tilespmem:$0x1A480] =	vst v63  }
0x1e: {  	_ =	swait.ge [sflag:s12], $0x4000  }
0x1f: {  	[sflag:s12] =	ssyncset.done $0x0  }
0x20: {  	[sflag:s12] =	ssyncadd.s32 $0xFFFFC000  }
0x21: {  	s31 =	simm.s32 $0x0;
	[bflag:$0x0] =	sbarrier.arrive $0xFFFF  }
0x22: {  	[spmem:s2] =	stream.indirect.scatter.add.f32 [tilespmem:s14], [sflag:$0x1], $0x80, s31, s15, $0xb8;
	[tilespmem:$0x1A480] =	vst v63  }
0x23: {  	_ =	swait.ge [sflag:s12], $0x4000  }
0x24: {  	s17 =	simm.s32 $0x200;
	[sflag:s12] =	ssyncset.done $0x0  }
.LBB2_2:
0x25: {  	s18 =	sshra.s32 s17, $0x2;
	[sflag:s12] =	ssyncadd.s32 $0xFFFFC000;
	p1 =	sne.s32 s17, $0x9E00  }
0x26: {  	[spmem:s2] =	stream.indirect.scatter.add.f32 [tilespmem:s14], [sflag:$0x1], $0x80, s18, s15, $0xb8;
	[tilespmem:$0x1A480] =	vst v63  }
.Ltmp0:
0x27: {  	_ = 	snop;
	(pc) =	sbr.rel @p1 .LBB2_2-.Ltmp0, $4  }
0x28: {  	_ = 	snop  }
0x29: {  	s17 =	sadd.s32 $0x200, s17  }
0x2a: {  	_ =	swait.ge [sflag:s12], $0x4000  }
0x2b: {  	[sflag:s12] =	ssyncset.done $0x0  }
0x2c: {  	[sflag:s12] =	ssyncadd.s32 $0xFFFFC000  }
0x2d: {  	[bflag:$0x0] =	sbarrier.arrive $0xFFFF  }
0x2e: {  	[hbm:s8], [sflag:s6] =	dma.local [spmem:s11], $0x2700  }
0x2f: {  	s16 =	sadd.s32 $0x1, s16;
	_ =	swait.ge [sflag:s12], $0x2700  }
0x30: {  	p1 =	sne.s32 s16, s10;
	[sflag:s12] =	ssyncset.done $0x0  }
.Ltmp1:
0x31: {  	s17 =	simm.s32 @!p0 $0x1;
	[sflag:s12] =	ssyncadd.s32 $0xFFFFD900;
	(pc) =	sbr.rel @p1 .LBB2_1-.Ltmp1, $4  }
0x32: {  	[hbm:s9], [sflag:s6] =	dma.local @!p0 [spmem:s13], $0x100  }
0x33: {  	_ =	swait.ge @!p0 [sflag:s17], $0x100  }
0x34: {  	[sflag:s17] =	ssyncset.done @!p0 $0x0  }
0x35: {  	[sflag:s17] =	ssyncadd.s32 @!p0 $0xFFFFFF00  }
0x36: {  	_ =	sfence.sel $0x180000  }
0x37: {  	[bflag:$0x0] =	sbarrier.arrive $0xFFFF  }
0x38: {  	_ =	strace $0x90000047  }
0x39: {  	s0 =	sadd.s32 @!p0 $0x100000, s0;
	[bflag:$0x2] =	sbarrier.arrive $0xFFFF  }
0x3a: {  	[sflag:s0] =	ssyncadd.tile.s32 @!p0 $0x1;
	_ =	shalt  }
.Lfunc_end2:
_tile_overlayer_lowered:
.L_overlay_start_2:
0x3b: {  	(tag) =	ssettag $0x2  }
0x3c: {  	s0 =	rddreg [dreg:$0x0];
	s2 =	stileid.u32  }
0x3d: {  	s1 =	rddreg [dreg:$0x1];
	p0 =	sne.s32 s2, $0x0  }
0x3e: {  	s3 =	rddreg [dreg:$0x2];
	[bflag:$0x3] =	sbarrier.arrive $0xFFFF;
	s2 =	simm.s32 @!p0 $0x1C01  }
0x3f: {  	[timem:s3], [sflag:s2] =	dma.local @!p0 [hbm:s0], s1  }
0x40: {  	s0 =	simm.s32 @!p0 $0x1  }
0x41: {  	_ =	swait.ge @!p0 [sflag:s0], s1  }
0x42: {  	s1 =	ssub.s32 @!p0 $0x0, s1;
	[sflag:s0] =	ssyncset.done @!p0 $0x0  }
0x43: {  	[sflag:s0] =	ssyncadd.s32 @!p0 s1  }
0x44: {  	[bflag:$0x3] =	sbarrier.arrive $0xFFFF  }
0x45: {  	_ =	shalt  }

</sc_bundles>
